<compile_context>
chip_gen: v7x
topology: tpu7x:2x2x1
jax: 0.10.2.dev20260603
libtpu: 0.0.44.dev20260713+nightly
codegen_flags: <defaults>
</compile_context>

<pallas_src>
import functools

import jax
import jax.numpy as jnp
from jax import lax
from jax.experimental import pallas as pl
from jax.experimental.pallas import tpu as pltpu
from jax.experimental.pallas import tpu_sc as plsc

BINS = 64
OUT_DIM = BINS * BINS
BATCH = 8
SAMPLES = 2048
NUM_CORES = 2
NUM_SUBCORES = 16
LANES = 16

B_PER_CORE = BATCH // NUM_CORES
TILES_PER_BATCH = NUM_SUBCORES // B_PER_CORE
S_PER_TILE = SAMPLES // TILES_PER_BATCH
HIST = B_PER_CORE * OUT_DIM
HIST_SLICE = HIST // NUM_SUBCORES
CHUNK = 128
N_CHUNKS = S_PER_TILE // CHUNK
WEIGHT = 1.0 / SAMPLES


def _bucket(x):
    t = x * 32.0
    t = jnp.minimum(jnp.maximum(t, -33.0), 33.0)
    ti = t.astype(jnp.int32)
    tf = ti.astype(jnp.float32)
    ceil_t = jnp.where(tf < t, ti + 1, ti)
    return jnp.minimum(jnp.maximum(ceil_t + 31, 0), BINS - 1)


@functools.partial(
    pl.kernel,
    out_type=jax.ShapeDtypeStruct((BATCH, OUT_DIM), jnp.float32),
    mesh=plsc.VectorSubcoreMesh(core_axis_name="c", subcore_axis_name="s"),
    scratch_types=[
        pltpu.VMEM((S_PER_TILE,), jnp.float32),
        pltpu.VMEM((S_PER_TILE,), jnp.float32),
        pltpu.VMEM((N_CHUNKS, CHUNK), jnp.int32),
        pltpu.VMEM((CHUNK,), jnp.float32),
        pltpu.VMEM((HIST_SLICE,), jnp.float32),
        pltpu.VMEM_SHARED((HIST,), jnp.float32),
        pltpu.SemaphoreType.DMA,
        pltpu.SemaphoreType.DMA,
    ],
)
def _bin_density_sc(states_hbm, out_hbm, x_v, y_v, idx_v, val_v, bounce_v,
                    hist_sh, sem, scat_sem):
    c = lax.axis_index("c")
    s = lax.axis_index("s")
    batch = c * B_PER_CORE + s // TILES_PER_BATCH
    sample0 = (s % TILES_PER_BATCH) * S_PER_TILE

    x_cp = pltpu.async_copy(
        states_hbm.at[batch, 0, pl.ds(sample0, S_PER_TILE)], x_v, sem)
    y_cp = pltpu.async_copy(
        states_hbm.at[batch, 1, pl.ds(sample0, S_PER_TILE)], y_v, sem)

    zeros16 = jnp.zeros((LANES,), jnp.float32)
    def _zero(i, carry):
        bounce_v[pl.ds(i * LANES, LANES)] = zeros16
        return carry
    lax.fori_loop(0, HIST_SLICE // LANES, _zero, 0)
    pltpu.sync_copy(bounce_v, hist_sh.at[pl.ds(s * HIST_SLICE, HIST_SLICE)])

    w16 = jnp.full((LANES,), WEIGHT, jnp.float32)
    def _fill(i, carry):
        val_v[pl.ds(i * LANES, LANES)] = w16
        return carry
    lax.fori_loop(0, CHUNK // LANES, _fill, 0)

    plsc.subcore_barrier()

    x_cp.wait()
    y_cp.wait()

    hist_base = (s // TILES_PER_BATCH) * OUT_DIM
    scat_cps = []
    for j in range(N_CHUNKS):
        def _index(i, carry):
            base = j * CHUNK + i * LANES
            x = x_v[pl.ds(base, LANES)]
            y = y_v[pl.ds(base, LANES)]
            lin = hist_base + _bucket(y) * BINS + _bucket(x)
            idx_v[j, pl.ds(i * LANES, LANES)] = lin
            return carry
        lax.fori_loop(0, CHUNK // LANES, _index, 0)
        scat_cps.append(pltpu.async_copy(
            val_v, hist_sh.at[idx_v.at[j]], scat_sem, add=True))

    for cp in scat_cps:
        cp.wait()
    plsc.subcore_barrier()

    out_row = c * B_PER_CORE + s // TILES_PER_BATCH
    out_col = (s % TILES_PER_BATCH) * HIST_SLICE
    pltpu.sync_copy(hist_sh.at[pl.ds(s * HIST_SLICE, HIST_SLICE)],
                    out_hbm.at[out_row, pl.ds(out_col, HIST_SLICE)])


def kernel(states):
    return _bin_density_sc(states.transpose(0, 2, 1))

# --- scband reference (transcript-rebuilt; emitter-appended) ---
"""Pipeline reference for scband-bin-density-encoder-60258391163074 (READ-ONLY COPY).

The authoritative reference and input builder live on the scoring server;
editing this copy changes nothing except your own understanding.
"""

import jax, jax.numpy as jnp
import numpy as np

BINS = 64
STATE_DIM = 2
SUP_MIN = -1.0
SUP_MAX = 1.0
OUTPUT_DIM = BINS ** STATE_DIM


def setup_inputs(seed: int = 0) -> dict:
    key = jax.random.key(seed)
    states = jax.random.normal(key, (8, 2048, STATE_DIM), dtype=jnp.float32)
    return {"states": states}


def reference(states):
    edges = jnp.linspace(SUP_MIN, SUP_MAX, BINS + 1, dtype=jnp.float32)
    # torch clamp(min=edges[0], max=edges[-1]-1e-8)
    clamped = jnp.clip(states, edges[0], edges[-1] - 1e-8)
    # torch.bucketize(x, boundaries, right=False): boundaries[i-1] < x <= boundaries[i]
    # equivalent to searchsorted side='left'
    indices = jnp.searchsorted(edges[1:-1], clamped, side="left")
    linear = indices[..., 0]
    multiplier = 1
    for dim in range(1, STATE_DIM):
        multiplier *= BINS
        linear = linear + indices[..., dim] * multiplier
    one_hot = jax.nn.one_hot(linear, OUTPUT_DIM, dtype=states.dtype)
    return one_hot.mean(axis=1)

if __name__ == "__main__":
    import jax
    _d = setup_inputs()
    print(jax.jit(kernel)(*tuple(_d.values())))

</pallas_src>

<mosaic_0001>
#map = affine_map<(d0, d1) -> (0, 0, 0)>
#map1 = affine_map<(d0, d1) -> (0, 0)>
module attributes {stable_mosaic.version = 14 : i64} {
  func.func @_bin_density_sc(%arg0: i32, %arg1: i32, %arg2: memref<8x2x2048xf32, #tpu.memory_space<hbm>>, %arg3: memref<8x4096xf32, #tpu.memory_space<hbm>>, %arg4: memref<512xf32, #tpu.memory_space<vmem>>, %arg5: memref<512xf32, #tpu.memory_space<vmem>>, %arg6: memref<4x128xi32, #tpu.memory_space<vmem>>, %arg7: memref<128xf32, #tpu.memory_space<vmem>>, %arg8: memref<1024xf32, #tpu.memory_space<vmem>>, %arg9: memref<16384xf32, #tpu.memory_space<vmem_shared>>, %arg10: memref<!tpu.dma_semaphore, #tpu.memory_space<semaphore_mem>>, %arg11: memref<!tpu.dma_semaphore, #tpu.memory_space<semaphore_mem>>) attributes {dimension_semantics = [#tpu.dimension_semantics<core_parallel>, #tpu.dimension_semantics<subcore_parallel>], iteration_bounds = array<i64: 2, 16>, scalar_prefetch = 0 : i64, scratch_operands = 8 : i64, tpu.core_type = #tpu.core_type<sc_vector_subcore>, window_params = [{transform_indices = #map}, {transform_indices = #map1}]} {
    %mul3A = arith.constant 4 : i32
    %mul3A_0 = arith.muli %arg0, %mul3A : i32
    %jit3A = arith.constant 4 : i32
    %div3A = arith.divsi %arg1, %jit3A : i32
    %sign3A = arith.constant 0 : i32
    %sign3A_1 = arith.cmpi sgt, %arg1, %sign3A : i32
    %sign3A_2 = arith.extui %sign3A_1 : i1 to i32
    %sign3A_3 = arith.constant 0 : i32
    %sign3A_4 = arith.cmpi slt, %arg1, %sign3A_3 : i32
    %sign3A_5 = arith.extui %sign3A_4 : i1 to i32
    %sign3A_6 = arith.subi %sign3A_2, %sign3A_5 : i32
    %sign3A_7 = arith.constant 0 : i32
    %sign3A_8 = arith.cmpi sgt, %jit3A, %sign3A_7 : i32
    %sign3A_9 = arith.extui %sign3A_8 : i1 to i32
    %sign3A_10 = arith.constant 0 : i32
    %sign3A_11 = arith.cmpi slt, %jit3A, %sign3A_10 : i32
    %sign3A_12 = arith.extui %sign3A_11 : i1 to i32
    %sign3A_13 = arith.subi %sign3A_9, %sign3A_12 : i32
    %ne3A = arith.cmpi ne, %sign3A_6, %sign3A_13 : i32
    %rem3A = arith.remsi %arg1, %jit3A : i32
    %ne3A_14 = arith.constant 0 : i32
    %ne3A_15 = arith.cmpi ne, %rem3A, %ne3A_14 : i32
    %and3A = arith.andi %ne3A, %ne3A_15 : i1
    %sub3A = arith.constant 1 : i32
    %sub3A_16 = arith.subi %div3A, %sub3A : i32
    %select_n3A = arith.select %and3A, %sub3A_16, %div3A : i32
    %add3A = arith.addi %mul3A_0, %select_n3A : i32
    %jit3A_17 = arith.constant 4 : i32
    %eq3A = arith.constant 0 : i32
    %eq3A_18 = arith.cmpi eq, %jit3A_17, %eq3A : i32
    %jit3A_19 = arith.constant 1 : i32
    %select_n3A_20 = arith.select %eq3A_18, %jit3A_19, %jit3A_17 : i32
    %rem3A_21 = arith.remsi %arg1, %select_n3A_20 : i32
    %ne3A_22 = arith.constant 0 : i32
    %ne3A_23 = arith.cmpi ne, %rem3A_21, %ne3A_22 : i32
    %lt3A = arith.constant 0 : i32
    %lt3A_24 = arith.cmpi slt, %rem3A_21, %lt3A : i32
    %lt3A_25 = arith.constant 0 : i32
    %lt3A_26 = arith.cmpi slt, %select_n3A_20, %lt3A_25 : i32
    %ne3A_27 = arith.xori %lt3A_24, %lt3A_26 : i1
    %and3A_28 = arith.andi %ne3A_27, %ne3A_23 : i1
    %add3A_29 = arith.addi %rem3A_21, %select_n3A_20 : i32
    %select_n3A_30 = arith.select %and3A_28, %add3A_29, %rem3A_21 : i32
    %mul3A_31 = arith.constant 512 : i32
    %mul3A_32 = arith.muli %select_n3A_30, %mul3A_31 : i32
    %dma_start3A = arith.constant 0 : i32
    %dma_start3A_33 = tpu.memref_slice %arg2[%add3A, %dma_start3A, %mul3A_32] : memref<8x2x2048xf32, #tpu.memory_space<hbm>> -> memref<1x1x512xf32, #tpu.memory_space<hbm>>
    %dma_start3A_34 = tpu.memref_squeeze %dma_start3A_33 : memref<1x1x512xf32, #tpu.memory_space<hbm>> -> memref<512xf32, #tpu.memory_space<hbm>>
    %dma_start3A_35 = tpu.memref_slice %arg2[%add3A, %dma_start3A, %mul3A_32] : memref<8x2x2048xf32, #tpu.memory_space<hbm>> -> memref<1x1x512xf32, #tpu.memory_space<hbm>>
    %dma_start3A_36 = tpu.memref_squeeze %dma_start3A_35 : memref<1x1x512xf32, #tpu.memory_space<hbm>> -> memref<512xf32, #tpu.memory_space<hbm>>
    tpu.enqueue_dma source(%dma_start3A_36 : memref<512xf32, #tpu.memory_space<hbm>>) target(%arg4 : memref<512xf32, #tpu.memory_space<vmem>>) target_semaphore(%arg10 : memref<!tpu.dma_semaphore, #tpu.memory_space<semaphore_mem>>)
    %dma_start3A_37 = arith.constant 1 : i32
    %dma_start3A_38 = tpu.memref_slice %arg2[%add3A, %dma_start3A_37, %mul3A_32] : memref<8x2x2048xf32, #tpu.memory_space<hbm>> -> memref<1x1x512xf32, #tpu.memory_space<hbm>>
    %dma_start3A_39 = tpu.memref_squeeze %dma_start3A_38 : memref<1x1x512xf32, #tpu.memory_space<hbm>> -> memref<512xf32, #tpu.memory_space<hbm>>
    %dma_start3A_40 = tpu.memref_slice %arg2[%add3A, %dma_start3A_37, %mul3A_32] : memref<8x2x2048xf32, #tpu.memory_space<hbm>> -> memref<1x1x512xf32, #tpu.memory_space<hbm>>
    %dma_start3A_41 = tpu.memref_squeeze %dma_start3A_40 : memref<1x1x512xf32, #tpu.memory_space<hbm>> -> memref<512xf32, #tpu.memory_space<hbm>>
    tpu.enqueue_dma source(%dma_start3A_41 : memref<512xf32, #tpu.memory_space<hbm>>) target(%arg5 : memref<512xf32, #tpu.memory_space<vmem>>) target_semaphore(%arg10 : memref<!tpu.dma_semaphore, #tpu.memory_space<semaphore_mem>>)
    %broadcast_in_dim3A = arith.constant 0.000000e+00 : f32
    %broadcast_in_dim3A_42 = vector.broadcast %broadcast_in_dim3A : f32 to vector<16xf32>
    %scan3A = arith.constant 0 : i32
    %scan3A_43 = arith.constant 0 : i32
    %scan3A_44 = arith.constant 64 : i32
    %scan3A_45 = arith.addi %scan3A_43, %scan3A_44 : i32
    %scan3A_46 = arith.constant 1 : i32
    scf.for %scan3A_213 = %scan3A_43 to %scan3A_45 step %scan3A_46  : i32 {
      %mul3A_214 = arith.constant 16 : i32
      %mul3A_215 = arith.muli %scan3A_213, %mul3A_214 : i32
      %swap3A = arith.index_cast %mul3A_215 : i32 to index
      %swap3A_216 = tpu.vector_load %arg8[%swap3A] {strides = array<i32>} : memref<1024xf32, #tpu.memory_space<vmem>>, vector<16xf32>,
      %swap3A_217 = vector.shape_cast %swap3A_216 : vector<16xf32> to vector<16xf32>
      %swap3A_218 = vector.shape_cast %broadcast_in_dim3A_42 : vector<16xf32> to vector<16xf32>
      tpu.vector_store %arg8[%swap3A], %swap3A_218 {strides = array<i32>} : memref<1024xf32, #tpu.memory_space<vmem>>, vector<16xf32>,
    }
    %scan3A_47 = arith.constant 64 : i32
    %mul3A_48 = arith.constant 1024 : i32
    %mul3A_49 = arith.muli %arg1, %mul3A_48 : i32
    "tpu.region"() ({
      %run_scoped3A = tpu.sem_alloc : memref<!tpu.dma_semaphore, #tpu.memory_space<semaphore_mem>>
      %dma_start3A_213 = tpu.memref_slice %arg9[%mul3A_49] : memref<16384xf32, #tpu.memory_space<vmem_shared>> -> memref<1024xf32, #tpu.memory_space<vmem_shared>>
      %dma_start3A_214 = tpu.memref_slice %arg9[%mul3A_49] : memref<16384xf32, #tpu.memory_space<vmem_shared>> -> memref<1024xf32, #tpu.memory_space<vmem_shared>>
      tpu.enqueue_dma source(%arg8 : memref<1024xf32, #tpu.memory_space<vmem>>) target(%dma_start3A_214 : memref<1024xf32, #tpu.memory_space<vmem_shared>>) target_semaphore(%run_scoped3A : memref<!tpu.dma_semaphore, #tpu.memory_space<semaphore_mem>>)
      %dma_wait3A_215 = tpu.memref_slice %arg9[%mul3A_49] : memref<16384xf32, #tpu.memory_space<vmem_shared>> -> memref<1024xf32, #tpu.memory_space<vmem_shared>>
      %dma_wait3A_216 = tpu.memref_slice %arg9[%mul3A_49] : memref<16384xf32, #tpu.memory_space<vmem_shared>> -> memref<1024xf32, #tpu.memory_space<vmem_shared>>
      tpu.wait_dma2 semaphore(%run_scoped3A : memref<!tpu.dma_semaphore, #tpu.memory_space<semaphore_mem>>) src(%arg8 : memref<1024xf32, #tpu.memory_space<vmem>>) dst(%dma_wait3A_216 : memref<1024xf32, #tpu.memory_space<vmem_shared>>)
      tpu.yield
    }) : () -> ()
    %broadcast_in_dim3A_50 = arith.constant 4.8828125E-4 : f32
    %broadcast_in_dim3A_51 = vector.broadcast %broadcast_in_dim3A_50 : f32 to vector<16xf32>
    %scan3A_52 = arith.constant 0 : i32
    %scan3A_53 = arith.constant 0 : i32
    %scan3A_54 = arith.constant 8 : i32
    %scan3A_55 = arith.addi %scan3A_53, %scan3A_54 : i32
    %scan3A_56 = arith.constant 1 : i32
    scf.for %scan3A_213 = %scan3A_53 to %scan3A_55 step %scan3A_56  : i32 {
      %mul3A_214 = arith.constant 16 : i32
      %mul3A_215 = arith.muli %scan3A_213, %mul3A_214 : i32
      %swap3A = arith.index_cast %mul3A_215 : i32 to index
      %swap3A_216 = tpu.vector_load %arg7[%swap3A] {strides = array<i32>} : memref<128xf32, #tpu.memory_space<vmem>>, vector<16xf32>,
      %swap3A_217 = vector.shape_cast %swap3A_216 : vector<16xf32> to vector<16xf32>
      %swap3A_218 = vector.shape_cast %broadcast_in_dim3A_51 : vector<16xf32> to vector<16xf32>
      tpu.vector_store %arg7[%swap3A], %swap3A_218 {strides = array<i32>} : memref<128xf32, #tpu.memory_space<vmem>>, vector<16xf32>,
    }
    %scan3A_57 = arith.constant 8 : i32
    %barrier3A = arith.constant 0 : index
    tpu.barrier barrier_id(%barrier3A)
    %dma_wait3A = arith.constant 0 : i32
    %dma_wait3A_58 = tpu.memref_slice %arg2[%add3A, %dma_wait3A, %mul3A_32] : memref<8x2x2048xf32, #tpu.memory_space<hbm>> -> memref<1x1x512xf32, #tpu.memory_space<hbm>>
    %dma_wait3A_59 = tpu.memref_squeeze %dma_wait3A_58 : memref<1x1x512xf32, #tpu.memory_space<hbm>> -> memref<512xf32, #tpu.memory_space<hbm>>
    %dma_wait3A_60 = tpu.memref_slice %arg2[%add3A, %dma_wait3A, %mul3A_32] : memref<8x2x2048xf32, #tpu.memory_space<hbm>> -> memref<1x1x512xf32, #tpu.memory_space<hbm>>
    %dma_wait3A_61 = tpu.memref_squeeze %dma_wait3A_60 : memref<1x1x512xf32, #tpu.memory_space<hbm>> -> memref<512xf32, #tpu.memory_space<hbm>>
    tpu.wait_dma2 semaphore(%arg10 : memref<!tpu.dma_semaphore, #tpu.memory_space<semaphore_mem>>) src(%dma_wait3A_61 : memref<512xf32, #tpu.memory_space<hbm>>) dst(%arg4 : memref<512xf32, #tpu.memory_space<vmem>>)
    %dma_wait3A_62 = arith.constant 1 : i32
    %dma_wait3A_63 = tpu.memref_slice %arg2[%add3A, %dma_wait3A_62, %mul3A_32] : memref<8x2x2048xf32, #tpu.memory_space<hbm>> -> memref<1x1x512xf32, #tpu.memory_space<hbm>>
    %dma_wait3A_64 = tpu.memref_squeeze %dma_wait3A_63 : memref<1x1x512xf32, #tpu.memory_space<hbm>> -> memref<512xf32, #tpu.memory_space<hbm>>
    %dma_wait3A_65 = tpu.memref_slice %arg2[%add3A, %dma_wait3A_62, %mul3A_32] : memref<8x2x2048xf32, #tpu.memory_space<hbm>> -> memref<1x1x512xf32, #tpu.memory_space<hbm>>
    %dma_wait3A_66 = tpu.memref_squeeze %dma_wait3A_65 : memref<1x1x512xf32, #tpu.memory_space<hbm>> -> memref<512xf32, #tpu.memory_space<hbm>>
    tpu.wait_dma2 semaphore(%arg10 : memref<!tpu.dma_semaphore, #tpu.memory_space<semaphore_mem>>) src(%dma_wait3A_66 : memref<512xf32, #tpu.memory_space<hbm>>) dst(%arg5 : memref<512xf32, #tpu.memory_space<vmem>>)
    %jit3A_67 = arith.constant 4 : i32
    %div3A_68 = arith.divsi %arg1, %jit3A_67 : i32
    %sign3A_69 = arith.constant 0 : i32
    %sign3A_70 = arith.cmpi sgt, %arg1, %sign3A_69 : i32
    %sign3A_71 = arith.extui %sign3A_70 : i1 to i32
    %sign3A_72 = arith.constant 0 : i32
    %sign3A_73 = arith.cmpi slt, %arg1, %sign3A_72 : i32
    %sign3A_74 = arith.extui %sign3A_73 : i1 to i32
    %sign3A_75 = arith.subi %sign3A_71, %sign3A_74 : i32
    %sign3A_76 = arith.constant 0 : i32
    %sign3A_77 = arith.cmpi sgt, %jit3A_67, %sign3A_76 : i32
    %sign3A_78 = arith.extui %sign3A_77 : i1 to i32
    %sign3A_79 = arith.constant 0 : i32
    %sign3A_80 = arith.cmpi slt, %jit3A_67, %sign3A_79 : i32
    %sign3A_81 = arith.extui %sign3A_80 : i1 to i32
    %sign3A_82 = arith.subi %sign3A_78, %sign3A_81 : i32
    %ne3A_83 = arith.cmpi ne, %sign3A_75, %sign3A_82 : i32
    %rem3A_84 = arith.remsi %arg1, %jit3A_67 : i32
    %ne3A_85 = arith.constant 0 : i32
    %ne3A_86 = arith.cmpi ne, %rem3A_84, %ne3A_85 : i32
    %and3A_87 = arith.andi %ne3A_83, %ne3A_86 : i1
    %sub3A_88 = arith.constant 1 : i32
    %sub3A_89 = arith.subi %div3A_68, %sub3A_88 : i32
    %select_n3A_90 = arith.select %and3A_87, %sub3A_89, %div3A_68 : i32
    %mul3A_91 = arith.constant 4096 : i32
    %mul3A_92 = arith.muli %select_n3A_90, %mul3A_91 : i32
    %scan3A_93 = arith.constant 0 : i32
    %scan3A_94 = arith.constant 0 : i32
    %scan3A_95 = arith.constant 8 : i32
    %scan3A_96 = arith.addi %scan3A_94, %scan3A_95 : i32
    %scan3A_97 = arith.constant 1 : i32
    scf.for %scan3A_213 = %scan3A_94 to %scan3A_96 step %scan3A_97  : i32 {
      %mul3A_214 = arith.constant 16 : i32
      %mul3A_215 = arith.muli %scan3A_213, %mul3A_214 : i32
      %add3A_216 = arith.constant 0 : i32
      %add3A_217 = arith.addi %add3A_216, %mul3A_215 : i32
      %get3A = arith.index_cast %add3A_217 : i32 to index
      %get3A_218 = tpu.vector_load %arg4[%get3A] {strides = array<i32>} : memref<512xf32, #tpu.memory_space<vmem>>, vector<16xf32>,
      %get3A_219 = vector.shape_cast %get3A_218 : vector<16xf32> to vector<16xf32>
      %get3A_220 = arith.index_cast %add3A_217 : i32 to index
      %get3A_221 = tpu.vector_load %arg5[%get3A_220] {strides = array<i32>} : memref<512xf32, #tpu.memory_space<vmem>>, vector<16xf32>,
      %get3A_222 = vector.shape_cast %get3A_221 : vector<16xf32> to vector<16xf32>
      %mul3A_223 = arith.constant 3.200000e+01 : f32
      %mul3A_224 = vector.broadcast %mul3A_223 : f32 to vector<16xf32>
      %mul3A_225 = arith.mulf %get3A_222, %mul3A_224 : vector<16xf32>
      %max3A = arith.constant -3.300000e+01 : f32
      %max3A_226 = vector.broadcast %max3A : f32 to vector<16xf32>
      %max3A_227 = arith.maximumf %mul3A_225, %max3A_226 : vector<16xf32>
      %min3A = arith.constant 3.300000e+01 : f32
      %min3A_228 = vector.broadcast %min3A : f32 to vector<16xf32>
      %min3A_229 = arith.minimumf %max3A_227, %min3A_228 : vector<16xf32>
      %convert_element_type3A = arith.fptosi %min3A_229 : vector<16xf32> to vector<16xi32>
      %convert_element_type3A_230 = arith.sitofp %convert_element_type3A : vector<16xi32> to vector<16xf32>
      %lt3A_231 = arith.cmpf olt, %convert_element_type3A_230, %min3A_229 : vector<16xf32>
      %add3A_232 = arith.constant 1 : i32
      %add3A_233 = vector.broadcast %add3A_232 : i32 to vector<16xi32>
      %add3A_234 = arith.addi %convert_element_type3A, %add3A_233 : vector<16xi32>
      %select_n3A_235 = arith.select %lt3A_231, %add3A_234, %convert_element_type3A : vector<16xi1>, vector<16xi32>
      %add3A_236 = arith.constant 31 : i32
      %add3A_237 = vector.broadcast %add3A_236 : i32 to vector<16xi32>
      %add3A_238 = arith.addi %select_n3A_235, %add3A_237 : vector<16xi32>
      %max3A_239 = arith.constant 0 : i32
      %max3A_240 = vector.broadcast %max3A_239 : i32 to vector<16xi32>
      %max3A_241 = arith.maxsi %add3A_238, %max3A_240 : vector<16xi32>
      %min3A_242 = arith.constant 63 : i32
      %min3A_243 = vector.broadcast %min3A_242 : i32 to vector<16xi32>
      %min3A_244 = arith.minsi %max3A_241, %min3A_243 : vector<16xi32>
      %mul3A_245 = arith.constant 64 : i32
      %mul3A_246 = vector.broadcast %mul3A_245 : i32 to vector<16xi32>
      %mul3A_247 = arith.muli %min3A_244, %mul3A_246 : vector<16xi32>
      %add3A_248 = vector.broadcast %mul3A_92 : i32 to vector<16xi32>
      %add3A_249 = arith.addi %add3A_248, %mul3A_247 : vector<16xi32>
      %mul3A_250 = arith.constant 3.200000e+01 : f32
      %mul3A_251 = vector.broadcast %mul3A_250 : f32 to vector<16xf32>
      %mul3A_252 = arith.mulf %get3A_219, %mul3A_251 : vector<16xf32>
      %max3A_253 = arith.constant -3.300000e+01 : f32
      %max3A_254 = vector.broadcast %max3A_253 : f32 to vector<16xf32>
      %max3A_255 = arith.maximumf %mul3A_252, %max3A_254 : vector<16xf32>
      %min3A_256 = arith.constant 3.300000e+01 : f32
      %min3A_257 = vector.broadcast %min3A_256 : f32 to vector<16xf32>
      %min3A_258 = arith.minimumf %max3A_255, %min3A_257 : vector<16xf32>
      %convert_element_type3A_259 = arith.fptosi %min3A_258 : vector<16xf32> to vector<16xi32>
      %convert_element_type3A_260 = arith.sitofp %convert_element_type3A_259 : vector<16xi32> to vector<16xf32>
      %lt3A_261 = arith.cmpf olt, %convert_element_type3A_260, %min3A_258 : vector<16xf32>
      %add3A_262 = arith.constant 1 : i32
      %add3A_263 = vector.broadcast %add3A_262 : i32 to vector<16xi32>
      %add3A_264 = arith.addi %convert_element_type3A_259, %add3A_263 : vector<16xi32>
      %select_n3A_265 = arith.select %lt3A_261, %add3A_264, %convert_element_type3A_259 : vector<16xi1>, vector<16xi32>
      %add3A_266 = arith.constant 31 : i32
      %add3A_267 = vector.broadcast %add3A_266 : i32 to vector<16xi32>
      %add3A_268 = arith.addi %select_n3A_265, %add3A_267 : vector<16xi32>
      %max3A_269 = arith.constant 0 : i32
      %max3A_270 = vector.broadcast %max3A_269 : i32 to vector<16xi32>
      %max3A_271 = arith.maxsi %add3A_268, %max3A_270 : vector<16xi32>
      %min3A_272 = arith.constant 63 : i32
      %min3A_273 = vector.broadcast %min3A_272 : i32 to vector<16xi32>
      %min3A_274 = arith.minsi %max3A_271, %min3A_273 : vector<16xi32>
      %add3A_275 = arith.addi %add3A_249, %min3A_274 : vector<16xi32>
      %mul3A_276 = arith.constant 16 : i32
      %mul3A_277 = arith.muli %scan3A_213, %mul3A_276 : i32
      %swap3A = arith.constant 0 : i32
      %swap3A_278 = arith.index_cast %swap3A : i32 to index
      %swap3A_279 = arith.index_cast %mul3A_277 : i32 to index
      %swap3A_280 = tpu.vector_load %arg6[%swap3A_278, %swap3A_279] {strides = array<i32>} : memref<4x128xi32, #tpu.memory_space<vmem>>, vector<1x16xi32>,
      %swap3A_281 = vector.shape_cast %swap3A_280 : vector<1x16xi32> to vector<16xi32>
      %swap3A_282 = vector.shape_cast %add3A_275 : vector<16xi32> to vector<1x16xi32>
      tpu.vector_store %arg6[%swap3A_278, %swap3A_279], %swap3A_282 {strides = array<i32>} : memref<4x128xi32, #tpu.memory_space<vmem>>, vector<1x16xi32>,
    }
    %scan3A_98 = arith.constant 8 : i32
    %dma_start3A_99 = arith.constant 0 : i32
    %dma_start3A_100 = arith.constant 0 : i32
    %dma_start3A_101 = tpu.memref_slice %arg6[%dma_start3A_99, %dma_start3A_100] : memref<4x128xi32, #tpu.memory_space<vmem>> -> memref<1x128xi32, #tpu.memory_space<vmem>>
    %dma_start3A_102 = tpu.memref_squeeze %dma_start3A_101 : memref<1x128xi32, #tpu.memory_space<vmem>> -> memref<128xi32, #tpu.memory_space<vmem>>
    %dma_start3A_103 = arith.constant 0 : i32
    %dma_start3A_104 = tpu.memref_slice %arg9[%dma_start3A_103] : memref<16384xf32, #tpu.memory_space<vmem_shared>> -> memref<16384xf32, #tpu.memory_space<vmem_shared>>
    tpu.enqueue_indirect_dma source(%arg7 : memref<128xf32, #tpu.memory_space<vmem>>) target(%dma_start3A_104 : memref<16384xf32, #tpu.memory_space<vmem_shared>>) offsets(%dma_start3A_102 : memref<128xi32, #tpu.memory_space<vmem>>) semaphore(%arg11 : memref<!tpu.dma_semaphore, #tpu.memory_space<semaphore_mem>>) {add = true}
    %scan3A_105 = arith.constant 0 : i32
    %scan3A_106 = arith.constant 0 : i32
    %scan3A_107 = arith.constant 8 : i32
    %scan3A_108 = arith.addi %scan3A_106, %scan3A_107 : i32
    %scan3A_109 = arith.constant 1 : i32
    scf.for %scan3A_213 = %scan3A_106 to %scan3A_108 step %scan3A_109  : i32 {
      %mul3A_214 = arith.constant 16 : i32
      %mul3A_215 = arith.muli %scan3A_213, %mul3A_214 : i32
      %add3A_216 = arith.constant 128 : i32
      %add3A_217 = arith.addi %add3A_216, %mul3A_215 : i32
      %get3A = arith.index_cast %add3A_217 : i32 to index
      %get3A_218 = tpu.vector_load %arg4[%get3A] {strides = array<i32>} : memref<512xf32, #tpu.memory_space<vmem>>, vector<16xf32>,
      %get3A_219 = vector.shape_cast %get3A_218 : vector<16xf32> to vector<16xf32>
      %get3A_220 = arith.index_cast %add3A_217 : i32 to index
      %get3A_221 = tpu.vector_load %arg5[%get3A_220] {strides = array<i32>} : memref<512xf32, #tpu.memory_space<vmem>>, vector<16xf32>,
      %get3A_222 = vector.shape_cast %get3A_221 : vector<16xf32> to vector<16xf32>
      %mul3A_223 = arith.constant 3.200000e+01 : f32
      %mul3A_224 = vector.broadcast %mul3A_223 : f32 to vector<16xf32>
      %mul3A_225 = arith.mulf %get3A_222, %mul3A_224 : vector<16xf32>
      %max3A = arith.constant -3.300000e+01 : f32
      %max3A_226 = vector.broadcast %max3A : f32 to vector<16xf32>
      %max3A_227 = arith.maximumf %mul3A_225, %max3A_226 : vector<16xf32>
      %min3A = arith.constant 3.300000e+01 : f32
      %min3A_228 = vector.broadcast %min3A : f32 to vector<16xf32>
      %min3A_229 = arith.minimumf %max3A_227, %min3A_228 : vector<16xf32>
      %convert_element_type3A = arith.fptosi %min3A_229 : vector<16xf32> to vector<16xi32>
      %convert_element_type3A_230 = arith.sitofp %convert_element_type3A : vector<16xi32> to vector<16xf32>
      %lt3A_231 = arith.cmpf olt, %convert_element_type3A_230, %min3A_229 : vector<16xf32>
      %add3A_232 = arith.constant 1 : i32
      %add3A_233 = vector.broadcast %add3A_232 : i32 to vector<16xi32>
      %add3A_234 = arith.addi %convert_element_type3A, %add3A_233 : vector<16xi32>
      %select_n3A_235 = arith.select %lt3A_231, %add3A_234, %convert_element_type3A : vector<16xi1>, vector<16xi32>
      %add3A_236 = arith.constant 31 : i32
      %add3A_237 = vector.broadcast %add3A_236 : i32 to vector<16xi32>
      %add3A_238 = arith.addi %select_n3A_235, %add3A_237 : vector<16xi32>
      %max3A_239 = arith.constant 0 : i32
      %max3A_240 = vector.broadcast %max3A_239 : i32 to vector<16xi32>
      %max3A_241 = arith.maxsi %add3A_238, %max3A_240 : vector<16xi32>
      %min3A_242 = arith.constant 63 : i32
      %min3A_243 = vector.broadcast %min3A_242 : i32 to vector<16xi32>
      %min3A_244 = arith.minsi %max3A_241, %min3A_243 : vector<16xi32>
      %mul3A_245 = arith.constant 64 : i32
      %mul3A_246 = vector.broadcast %mul3A_245 : i32 to vector<16xi32>
      %mul3A_247 = arith.muli %min3A_244, %mul3A_246 : vector<16xi32>
      %add3A_248 = vector.broadcast %mul3A_92 : i32 to vector<16xi32>
      %add3A_249 = arith.addi %add3A_248, %mul3A_247 : vector<16xi32>
      %mul3A_250 = arith.constant 3.200000e+01 : f32
      %mul3A_251 = vector.broadcast %mul3A_250 : f32 to vector<16xf32>
      %mul3A_252 = arith.mulf %get3A_219, %mul3A_251 : vector<16xf32>
      %max3A_253 = arith.constant -3.300000e+01 : f32
      %max3A_254 = vector.broadcast %max3A_253 : f32 to vector<16xf32>
      %max3A_255 = arith.maximumf %mul3A_252, %max3A_254 : vector<16xf32>
      %min3A_256 = arith.constant 3.300000e+01 : f32
      %min3A_257 = vector.broadcast %min3A_256 : f32 to vector<16xf32>
      %min3A_258 = arith.minimumf %max3A_255, %min3A_257 : vector<16xf32>
      %convert_element_type3A_259 = arith.fptosi %min3A_258 : vector<16xf32> to vector<16xi32>
      %convert_element_type3A_260 = arith.sitofp %convert_element_type3A_259 : vector<16xi32> to vector<16xf32>
      %lt3A_261 = arith.cmpf olt, %convert_element_type3A_260, %min3A_258 : vector<16xf32>
      %add3A_262 = arith.constant 1 : i32
      %add3A_263 = vector.broadcast %add3A_262 : i32 to vector<16xi32>
      %add3A_264 = arith.addi %convert_element_type3A_259, %add3A_263 : vector<16xi32>
      %select_n3A_265 = arith.select %lt3A_261, %add3A_264, %convert_element_type3A_259 : vector<16xi1>, vector<16xi32>
      %add3A_266 = arith.constant 31 : i32
      %add3A_267 = vector.broadcast %add3A_266 : i32 to vector<16xi32>
      %add3A_268 = arith.addi %select_n3A_265, %add3A_267 : vector<16xi32>
      %max3A_269 = arith.constant 0 : i32
      %max3A_270 = vector.broadcast %max3A_269 : i32 to vector<16xi32>
      %max3A_271 = arith.maxsi %add3A_268, %max3A_270 : vector<16xi32>
      %min3A_272 = arith.constant 63 : i32
      %min3A_273 = vector.broadcast %min3A_272 : i32 to vector<16xi32>
      %min3A_274 = arith.minsi %max3A_271, %min3A_273 : vector<16xi32>
      %add3A_275 = arith.addi %add3A_249, %min3A_274 : vector<16xi32>
      %mul3A_276 = arith.constant 16 : i32
      %mul3A_277 = arith.muli %scan3A_213, %mul3A_276 : i32
      %swap3A = arith.constant 1 : i32
      %swap3A_278 = arith.index_cast %swap3A : i32 to index
      %swap3A_279 = arith.index_cast %mul3A_277 : i32 to index
      %swap3A_280 = tpu.vector_load %arg6[%swap3A_278, %swap3A_279] {strides = array<i32>} : memref<4x128xi32, #tpu.memory_space<vmem>>, vector<1x16xi32>,
      %swap3A_281 = vector.shape_cast %swap3A_280 : vector<1x16xi32> to vector<16xi32>
      %swap3A_282 = vector.shape_cast %add3A_275 : vector<16xi32> to vector<1x16xi32>
      tpu.vector_store %arg6[%swap3A_278, %swap3A_279], %swap3A_282 {strides = array<i32>} : memref<4x128xi32, #tpu.memory_space<vmem>>, vector<1x16xi32>,
    }
    %scan3A_110 = arith.constant 8 : i32
    %dma_start3A_111 = arith.constant 1 : i32
    %dma_start3A_112 = arith.constant 0 : i32
    %dma_start3A_113 = tpu.memref_slice %arg6[%dma_start3A_111, %dma_start3A_112] : memref<4x128xi32, #tpu.memory_space<vmem>> -> memref<1x128xi32, #tpu.memory_space<vmem>>
    %dma_start3A_114 = tpu.memref_squeeze %dma_start3A_113 : memref<1x128xi32, #tpu.memory_space<vmem>> -> memref<128xi32, #tpu.memory_space<vmem>>
    %dma_start3A_115 = arith.constant 0 : i32
    %dma_start3A_116 = tpu.memref_slice %arg9[%dma_start3A_115] : memref<16384xf32, #tpu.memory_space<vmem_shared>> -> memref<16384xf32, #tpu.memory_space<vmem_shared>>
    tpu.enqueue_indirect_dma source(%arg7 : memref<128xf32, #tpu.memory_space<vmem>>) target(%dma_start3A_116 : memref<16384xf32, #tpu.memory_space<vmem_shared>>) offsets(%dma_start3A_114 : memref<128xi32, #tpu.memory_space<vmem>>) semaphore(%arg11 : memref<!tpu.dma_semaphore, #tpu.memory_space<semaphore_mem>>) {add = true}
    %scan3A_117 = arith.constant 0 : i32
    %scan3A_118 = arith.constant 0 : i32
    %scan3A_119 = arith.constant 8 : i32
    %scan3A_120 = arith.addi %scan3A_118, %scan3A_119 : i32
    %scan3A_121 = arith.constant 1 : i32
    scf.for %scan3A_213 = %scan3A_118 to %scan3A_120 step %scan3A_121  : i32 {
      %mul3A_214 = arith.constant 16 : i32
      %mul3A_215 = arith.muli %scan3A_213, %mul3A_214 : i32
      %add3A_216 = arith.constant 256 : i32
      %add3A_217 = arith.addi %add3A_216, %mul3A_215 : i32
      %get3A = arith.index_cast %add3A_217 : i32 to index
      %get3A_218 = tpu.vector_load %arg4[%get3A] {strides = array<i32>} : memref<512xf32, #tpu.memory_space<vmem>>, vector<16xf32>,
      %get3A_219 = vector.shape_cast %get3A_218 : vector<16xf32> to vector<16xf32>
      %get3A_220 = arith.index_cast %add3A_217 : i32 to index
      %get3A_221 = tpu.vector_load %arg5[%get3A_220] {strides = array<i32>} : memref<512xf32, #tpu.memory_space<vmem>>, vector<16xf32>,
      %get3A_222 = vector.shape_cast %get3A_221 : vector<16xf32> to vector<16xf32>
      %mul3A_223 = arith.constant 3.200000e+01 : f32
      %mul3A_224 = vector.broadcast %mul3A_223 : f32 to vector<16xf32>
      %mul3A_225 = arith.mulf %get3A_222, %mul3A_224 : vector<16xf32>
      %max3A = arith.constant -3.300000e+01 : f32
      %max3A_226 = vector.broadcast %max3A : f32 to vector<16xf32>
      %max3A_227 = arith.maximumf %mul3A_225, %max3A_226 : vector<16xf32>
      %min3A = arith.constant 3.300000e+01 : f32
      %min3A_228 = vector.broadcast %min3A : f32 to vector<16xf32>
      %min3A_229 = arith.minimumf %max3A_227, %min3A_228 : vector<16xf32>
      %convert_element_type3A = arith.fptosi %min3A_229 : vector<16xf32> to vector<16xi32>
      %convert_element_type3A_230 = arith.sitofp %convert_element_type3A : vector<16xi32> to vector<16xf32>
      %lt3A_231 = arith.cmpf olt, %convert_element_type3A_230, %min3A_229 : vector<16xf32>
      %add3A_232 = arith.constant 1 : i32
      %add3A_233 = vector.broadcast %add3A_232 : i32 to vector<16xi32>
      %add3A_234 = arith.addi %convert_element_type3A, %add3A_233 : vector<16xi32>
      %select_n3A_235 = arith.select %lt3A_231, %add3A_234, %convert_element_type3A : vector<16xi1>, vector<16xi32>
      %add3A_236 = arith.constant 31 : i32
      %add3A_237 = vector.broadcast %add3A_236 : i32 to vector<16xi32>
      %add3A_238 = arith.addi %select_n3A_235, %add3A_237 : vector<16xi32>
      %max3A_239 = arith.constant 0 : i32
      %max3A_240 = vector.broadcast %max3A_239 : i32 to vector<16xi32>
      %max3A_241 = arith.maxsi %add3A_238, %max3A_240 : vector<16xi32>
      %min3A_242 = arith.constant 63 : i32
      %min3A_243 = vector.broadcast %min3A_242 : i32 to vector<16xi32>
      %min3A_244 = arith.minsi %max3A_241, %min3A_243 : vector<16xi32>
      %mul3A_245 = arith.constant 64 : i32
      %mul3A_246 = vector.broadcast %mul3A_245 : i32 to vector<16xi32>
      %mul3A_247 = arith.muli %min3A_244, %mul3A_246 : vector<16xi32>
      %add3A_248 = vector.broadcast %mul3A_92 : i32 to vector<16xi32>
      %add3A_249 = arith.addi %add3A_248, %mul3A_247 : vector<16xi32>
      %mul3A_250 = arith.constant 3.200000e+01 : f32
      %mul3A_251 = vector.broadcast %mul3A_250 : f32 to vector<16xf32>
      %mul3A_252 = arith.mulf %get3A_219, %mul3A_251 : vector<16xf32>
      %max3A_253 = arith.constant -3.300000e+01 : f32
      %max3A_254 = vector.broadcast %max3A_253 : f32 to vector<16xf32>
      %max3A_255 = arith.maximumf %mul3A_252, %max3A_254 : vector<16xf32>
      %min3A_256 = arith.constant 3.300000e+01 : f32
      %min3A_257 = vector.broadcast %min3A_256 : f32 to vector<16xf32>
      %min3A_258 = arith.minimumf %max3A_255, %min3A_257 : vector<16xf32>
      %convert_element_type3A_259 = arith.fptosi %min3A_258 : vector<16xf32> to vector<16xi32>
      %convert_element_type3A_260 = arith.sitofp %convert_element_type3A_259 : vector<16xi32> to vector<16xf32>
      %lt3A_261 = arith.cmpf olt, %convert_element_type3A_260, %min3A_258 : vector<16xf32>
      %add3A_262 = arith.constant 1 : i32
      %add3A_263 = vector.broadcast %add3A_262 : i32 to vector<16xi32>
      %add3A_264 = arith.addi %convert_element_type3A_259, %add3A_263 : vector<16xi32>
      %select_n3A_265 = arith.select %lt3A_261, %add3A_264, %convert_element_type3A_259 : vector<16xi1>, vector<16xi32>
      %add3A_266 = arith.constant 31 : i32
      %add3A_267 = vector.broadcast %add3A_266 : i32 to vector<16xi32>
      %add3A_268 = arith.addi %select_n3A_265, %add3A_267 : vector<16xi32>
      %max3A_269 = arith.constant 0 : i32
      %max3A_270 = vector.broadcast %max3A_269 : i32 to vector<16xi32>
      %max3A_271 = arith.maxsi %add3A_268, %max3A_270 : vector<16xi32>
      %min3A_272 = arith.constant 63 : i32
      %min3A_273 = vector.broadcast %min3A_272 : i32 to vector<16xi32>
      %min3A_274 = arith.minsi %max3A_271, %min3A_273 : vector<16xi32>
      %add3A_275 = arith.addi %add3A_249, %min3A_274 : vector<16xi32>
      %mul3A_276 = arith.constant 16 : i32
      %mul3A_277 = arith.muli %scan3A_213, %mul3A_276 : i32
      %swap3A = arith.constant 2 : i32
      %swap3A_278 = arith.index_cast %swap3A : i32 to index
      %swap3A_279 = arith.index_cast %mul3A_277 : i32 to index
      %swap3A_280 = tpu.vector_load %arg6[%swap3A_278, %swap3A_279] {strides = array<i32>} : memref<4x128xi32, #tpu.memory_space<vmem>>, vector<1x16xi32>,
      %swap3A_281 = vector.shape_cast %swap3A_280 : vector<1x16xi32> to vector<16xi32>
      %swap3A_282 = vector.shape_cast %add3A_275 : vector<16xi32> to vector<1x16xi32>
      tpu.vector_store %arg6[%swap3A_278, %swap3A_279], %swap3A_282 {strides = array<i32>} : memref<4x128xi32, #tpu.memory_space<vmem>>, vector<1x16xi32>,
    }
    %scan3A_122 = arith.constant 8 : i32
    %dma_start3A_123 = arith.constant 2 : i32
    %dma_start3A_124 = arith.constant 0 : i32
    %dma_start3A_125 = tpu.memref_slice %arg6[%dma_start3A_123, %dma_start3A_124] : memref<4x128xi32, #tpu.memory_space<vmem>> -> memref<1x128xi32, #tpu.memory_space<vmem>>
    %dma_start3A_126 = tpu.memref_squeeze %dma_start3A_125 : memref<1x128xi32, #tpu.memory_space<vmem>> -> memref<128xi32, #tpu.memory_space<vmem>>
    %dma_start3A_127 = arith.constant 0 : i32
    %dma_start3A_128 = tpu.memref_slice %arg9[%dma_start3A_127] : memref<16384xf32, #tpu.memory_space<vmem_shared>> -> memref<16384xf32, #tpu.memory_space<vmem_shared>>
    tpu.enqueue_indirect_dma source(%arg7 : memref<128xf32, #tpu.memory_space<vmem>>) target(%dma_start3A_128 : memref<16384xf32, #tpu.memory_space<vmem_shared>>) offsets(%dma_start3A_126 : memref<128xi32, #tpu.memory_space<vmem>>) semaphore(%arg11 : memref<!tpu.dma_semaphore, #tpu.memory_space<semaphore_mem>>) {add = true}
    %scan3A_129 = arith.constant 0 : i32
    %scan3A_130 = arith.constant 0 : i32
    %scan3A_131 = arith.constant 8 : i32
    %scan3A_132 = arith.addi %scan3A_130, %scan3A_131 : i32
    %scan3A_133 = arith.constant 1 : i32
    scf.for %scan3A_213 = %scan3A_130 to %scan3A_132 step %scan3A_133  : i32 {
      %mul3A_214 = arith.constant 16 : i32
      %mul3A_215 = arith.muli %scan3A_213, %mul3A_214 : i32
      %add3A_216 = arith.constant 384 : i32
      %add3A_217 = arith.addi %add3A_216, %mul3A_215 : i32
      %get3A = arith.index_cast %add3A_217 : i32 to index
      %get3A_218 = tpu.vector_load %arg4[%get3A] {strides = array<i32>} : memref<512xf32, #tpu.memory_space<vmem>>, vector<16xf32>,
      %get3A_219 = vector.shape_cast %get3A_218 : vector<16xf32> to vector<16xf32>
      %get3A_220 = arith.index_cast %add3A_217 : i32 to index
      %get3A_221 = tpu.vector_load %arg5[%get3A_220] {strides = array<i32>} : memref<512xf32, #tpu.memory_space<vmem>>, vector<16xf32>,
      %get3A_222 = vector.shape_cast %get3A_221 : vector<16xf32> to vector<16xf32>
      %mul3A_223 = arith.constant 3.200000e+01 : f32
      %mul3A_224 = vector.broadcast %mul3A_223 : f32 to vector<16xf32>
      %mul3A_225 = arith.mulf %get3A_222, %mul3A_224 : vector<16xf32>
      %max3A = arith.constant -3.300000e+01 : f32
      %max3A_226 = vector.broadcast %max3A : f32 to vector<16xf32>
      %max3A_227 = arith.maximumf %mul3A_225, %max3A_226 : vector<16xf32>
      %min3A = arith.constant 3.300000e+01 : f32
      %min3A_228 = vector.broadcast %min3A : f32 to vector<16xf32>
      %min3A_229 = arith.minimumf %max3A_227, %min3A_228 : vector<16xf32>
      %convert_element_type3A = arith.fptosi %min3A_229 : vector<16xf32> to vector<16xi32>
      %convert_element_type3A_230 = arith.sitofp %convert_element_type3A : vector<16xi32> to vector<16xf32>
      %lt3A_231 = arith.cmpf olt, %convert_element_type3A_230, %min3A_229 : vector<16xf32>
      %add3A_232 = arith.constant 1 : i32
      %add3A_233 = vector.broadcast %add3A_232 : i32 to vector<16xi32>
      %add3A_234 = arith.addi %convert_element_type3A, %add3A_233 : vector<16xi32>
      %select_n3A_235 = arith.select %lt3A_231, %add3A_234, %convert_element_type3A : vector<16xi1>, vector<16xi32>
      %add3A_236 = arith.constant 31 : i32
      %add3A_237 = vector.broadcast %add3A_236 : i32 to vector<16xi32>
      %add3A_238 = arith.addi %select_n3A_235, %add3A_237 : vector<16xi32>
      %max3A_239 = arith.constant 0 : i32
      %max3A_240 = vector.broadcast %max3A_239 : i32 to vector<16xi32>
      %max3A_241 = arith.maxsi %add3A_238, %max3A_240 : vector<16xi32>
      %min3A_242 = arith.constant 63 : i32
      %min3A_243 = vector.broadcast %min3A_242 : i32 to vector<16xi32>
      %min3A_244 = arith.minsi %max3A_241, %min3A_243 : vector<16xi32>
      %mul3A_245 = arith.constant 64 : i32
      %mul3A_246 = vector.broadcast %mul3A_245 : i32 to vector<16xi32>
      %mul3A_247 = arith.muli %min3A_244, %mul3A_246 : vector<16xi32>
      %add3A_248 = vector.broadcast %mul3A_92 : i32 to vector<16xi32>
      %add3A_249 = arith.addi %add3A_248, %mul3A_247 : vector<16xi32>
      %mul3A_250 = arith.constant 3.200000e+01 : f32
      %mul3A_251 = vector.broadcast %mul3A_250 : f32 to vector<16xf32>
      %mul3A_252 = arith.mulf %get3A_219, %mul3A_251 : vector<16xf32>
      %max3A_253 = arith.constant -3.300000e+01 : f32
      %max3A_254 = vector.broadcast %max3A_253 : f32 to vector<16xf32>
      %max3A_255 = arith.maximumf %mul3A_252, %max3A_254 : vector<16xf32>
      %min3A_256 = arith.constant 3.300000e+01 : f32
      %min3A_257 = vector.broadcast %min3A_256 : f32 to vector<16xf32>
      %min3A_258 = arith.minimumf %max3A_255, %min3A_257 : vector<16xf32>
      %convert_element_type3A_259 = arith.fptosi %min3A_258 : vector<16xf32> to vector<16xi32>
      %convert_element_type3A_260 = arith.sitofp %convert_element_type3A_259 : vector<16xi32> to vector<16xf32>
      %lt3A_261 = arith.cmpf olt, %convert_element_type3A_260, %min3A_258 : vector<16xf32>
      %add3A_262 = arith.constant 1 : i32
      %add3A_263 = vector.broadcast %add3A_262 : i32 to vector<16xi32>
      %add3A_264 = arith.addi %convert_element_type3A_259, %add3A_263 : vector<16xi32>
      %select_n3A_265 = arith.select %lt3A_261, %add3A_264, %convert_element_type3A_259 : vector<16xi1>, vector<16xi32>
      %add3A_266 = arith.constant 31 : i32
      %add3A_267 = vector.broadcast %add3A_266 : i32 to vector<16xi32>
      %add3A_268 = arith.addi %select_n3A_265, %add3A_267 : vector<16xi32>
      %max3A_269 = arith.constant 0 : i32
      %max3A_270 = vector.broadcast %max3A_269 : i32 to vector<16xi32>
      %max3A_271 = arith.maxsi %add3A_268, %max3A_270 : vector<16xi32>
      %min3A_272 = arith.constant 63 : i32
      %min3A_273 = vector.broadcast %min3A_272 : i32 to vector<16xi32>
      %min3A_274 = arith.minsi %max3A_271, %min3A_273 : vector<16xi32>
      %add3A_275 = arith.addi %add3A_249, %min3A_274 : vector<16xi32>
      %mul3A_276 = arith.constant 16 : i32
      %mul3A_277 = arith.muli %scan3A_213, %mul3A_276 : i32
      %swap3A = arith.constant 3 : i32
      %swap3A_278 = arith.index_cast %swap3A : i32 to index
      %swap3A_279 = arith.index_cast %mul3A_277 : i32 to index
      %swap3A_280 = tpu.vector_load %arg6[%swap3A_278, %swap3A_279] {strides = array<i32>} : memref<4x128xi32, #tpu.memory_space<vmem>>, vector<1x16xi32>,
      %swap3A_281 = vector.shape_cast %swap3A_280 : vector<1x16xi32> to vector<16xi32>
      %swap3A_282 = vector.shape_cast %add3A_275 : vector<16xi32> to vector<1x16xi32>
      tpu.vector_store %arg6[%swap3A_278, %swap3A_279], %swap3A_282 {strides = array<i32>} : memref<4x128xi32, #tpu.memory_space<vmem>>, vector<1x16xi32>,
    }
    %scan3A_134 = arith.constant 8 : i32
    %dma_start3A_135 = arith.constant 3 : i32
    %dma_start3A_136 = arith.constant 0 : i32
    %dma_start3A_137 = tpu.memref_slice %arg6[%dma_start3A_135, %dma_start3A_136] : memref<4x128xi32, #tpu.memory_space<vmem>> -> memref<1x128xi32, #tpu.memory_space<vmem>>
    %dma_start3A_138 = tpu.memref_squeeze %dma_start3A_137 : memref<1x128xi32, #tpu.memory_space<vmem>> -> memref<128xi32, #tpu.memory_space<vmem>>
    %dma_start3A_139 = arith.constant 0 : i32
    %dma_start3A_140 = tpu.memref_slice %arg9[%dma_start3A_139] : memref<16384xf32, #tpu.memory_space<vmem_shared>> -> memref<16384xf32, #tpu.memory_space<vmem_shared>>
    tpu.enqueue_indirect_dma source(%arg7 : memref<128xf32, #tpu.memory_space<vmem>>) target(%dma_start3A_140 : memref<16384xf32, #tpu.memory_space<vmem_shared>>) offsets(%dma_start3A_138 : memref<128xi32, #tpu.memory_space<vmem>>) semaphore(%arg11 : memref<!tpu.dma_semaphore, #tpu.memory_space<semaphore_mem>>) {add = true}
    %dma_wait3A_141 = arith.constant 0 : i32
    %dma_wait3A_142 = arith.constant 0 : i32
    %dma_wait3A_143 = tpu.memref_slice %arg6[%dma_wait3A_141, %dma_wait3A_142] : memref<4x128xi32, #tpu.memory_space<vmem>> -> memref<1x128xi32, #tpu.memory_space<vmem>>
    %dma_wait3A_144 = tpu.memref_squeeze %dma_wait3A_143 : memref<1x128xi32, #tpu.memory_space<vmem>> -> memref<128xi32, #tpu.memory_space<vmem>>
    %dma_wait3A_145 = arith.constant 0 : i32
    %dma_wait3A_146 = tpu.memref_slice %arg9[%dma_wait3A_145] : memref<16384xf32, #tpu.memory_space<vmem_shared>> -> memref<16384xf32, #tpu.memory_space<vmem_shared>>
    tpu.wait_indirect_dma semaphore(%arg11 : memref<!tpu.dma_semaphore, #tpu.memory_space<semaphore_mem>>) src(%arg7 : memref<128xf32, #tpu.memory_space<vmem>>) dst(%dma_wait3A_146 : memref<16384xf32, #tpu.memory_space<vmem_shared>>)
    %dma_wait3A_147 = arith.constant 1 : i32
    %dma_wait3A_148 = arith.constant 0 : i32
    %dma_wait3A_149 = tpu.memref_slice %arg6[%dma_wait3A_147, %dma_wait3A_148] : memref<4x128xi32, #tpu.memory_space<vmem>> -> memref<1x128xi32, #tpu.memory_space<vmem>>
    %dma_wait3A_150 = tpu.memref_squeeze %dma_wait3A_149 : memref<1x128xi32, #tpu.memory_space<vmem>> -> memref<128xi32, #tpu.memory_space<vmem>>
    %dma_wait3A_151 = arith.constant 0 : i32
    %dma_wait3A_152 = tpu.memref_slice %arg9[%dma_wait3A_151] : memref<16384xf32, #tpu.memory_space<vmem_shared>> -> memref<16384xf32, #tpu.memory_space<vmem_shared>>
    tpu.wait_indirect_dma semaphore(%arg11 : memref<!tpu.dma_semaphore, #tpu.memory_space<semaphore_mem>>) src(%arg7 : memref<128xf32, #tpu.memory_space<vmem>>) dst(%dma_wait3A_152 : memref<16384xf32, #tpu.memory_space<vmem_shared>>)
    %dma_wait3A_153 = arith.constant 2 : i32
    %dma_wait3A_154 = arith.constant 0 : i32
    %dma_wait3A_155 = tpu.memref_slice %arg6[%dma_wait3A_153, %dma_wait3A_154] : memref<4x128xi32, #tpu.memory_space<vmem>> -> memref<1x128xi32, #tpu.memory_space<vmem>>
    %dma_wait3A_156 = tpu.memref_squeeze %dma_wait3A_155 : memref<1x128xi32, #tpu.memory_space<vmem>> -> memref<128xi32, #tpu.memory_space<vmem>>
    %dma_wait3A_157 = arith.constant 0 : i32
    %dma_wait3A_158 = tpu.memref_slice %arg9[%dma_wait3A_157] : memref<16384xf32, #tpu.memory_space<vmem_shared>> -> memref<16384xf32, #tpu.memory_space<vmem_shared>>
    tpu.wait_indirect_dma semaphore(%arg11 : memref<!tpu.dma_semaphore, #tpu.memory_space<semaphore_mem>>) src(%arg7 : memref<128xf32, #tpu.memory_space<vmem>>) dst(%dma_wait3A_158 : memref<16384xf32, #tpu.memory_space<vmem_shared>>)
    %dma_wait3A_159 = arith.constant 3 : i32
    %dma_wait3A_160 = arith.constant 0 : i32
    %dma_wait3A_161 = tpu.memref_slice %arg6[%dma_wait3A_159, %dma_wait3A_160] : memref<4x128xi32, #tpu.memory_space<vmem>> -> memref<1x128xi32, #tpu.memory_space<vmem>>
    %dma_wait3A_162 = tpu.memref_squeeze %dma_wait3A_161 : memref<1x128xi32, #tpu.memory_space<vmem>> -> memref<128xi32, #tpu.memory_space<vmem>>
    %dma_wait3A_163 = arith.constant 0 : i32
    %dma_wait3A_164 = tpu.memref_slice %arg9[%dma_wait3A_163] : memref<16384xf32, #tpu.memory_space<vmem_shared>> -> memref<16384xf32, #tpu.memory_space<vmem_shared>>
    tpu.wait_indirect_dma semaphore(%arg11 : memref<!tpu.dma_semaphore, #tpu.memory_space<semaphore_mem>>) src(%arg7 : memref<128xf32, #tpu.memory_space<vmem>>) dst(%dma_wait3A_164 : memref<16384xf32, #tpu.memory_space<vmem_shared>>)
    %barrier3A_165 = arith.constant 0 : index
    tpu.barrier barrier_id(%barrier3A_165)
    %mul3A_166 = arith.constant 4 : i32
    %mul3A_167 = arith.muli %arg0, %mul3A_166 : i32
    %jit3A_168 = arith.constant 4 : i32
    %div3A_169 = arith.divsi %arg1, %jit3A_168 : i32
    %sign3A_170 = arith.constant 0 : i32
    %sign3A_171 = arith.cmpi sgt, %arg1, %sign3A_170 : i32
    %sign3A_172 = arith.extui %sign3A_171 : i1 to i32
    %sign3A_173 = arith.constant 0 : i32
    %sign3A_174 = arith.cmpi slt, %arg1, %sign3A_173 : i32
    %sign3A_175 = arith.extui %sign3A_174 : i1 to i32
    %sign3A_176 = arith.subi %sign3A_172, %sign3A_175 : i32
    %sign3A_177 = arith.constant 0 : i32
    %sign3A_178 = arith.cmpi sgt, %jit3A_168, %sign3A_177 : i32
    %sign3A_179 = arith.extui %sign3A_178 : i1 to i32
    %sign3A_180 = arith.constant 0 : i32
    %sign3A_181 = arith.cmpi slt, %jit3A_168, %sign3A_180 : i32
    %sign3A_182 = arith.extui %sign3A_181 : i1 to i32
    %sign3A_183 = arith.subi %sign3A_179, %sign3A_182 : i32
    %ne3A_184 = arith.cmpi ne, %sign3A_176, %sign3A_183 : i32
    %rem3A_185 = arith.remsi %arg1, %jit3A_168 : i32
    %ne3A_186 = arith.constant 0 : i32
    %ne3A_187 = arith.cmpi ne, %rem3A_185, %ne3A_186 : i32
    %and3A_188 = arith.andi %ne3A_184, %ne3A_187 : i1
    %sub3A_189 = arith.constant 1 : i32
    %sub3A_190 = arith.subi %div3A_169, %sub3A_189 : i32
    %select_n3A_191 = arith.select %and3A_188, %sub3A_190, %div3A_169 : i32
    %add3A_192 = arith.addi %mul3A_167, %select_n3A_191 : i32
    %jit3A_193 = arith.constant 4 : i32
    %eq3A_194 = arith.constant 0 : i32
    %eq3A_195 = arith.cmpi eq, %jit3A_193, %eq3A_194 : i32
    %jit3A_196 = arith.constant 1 : i32
    %select_n3A_197 = arith.select %eq3A_195, %jit3A_196, %jit3A_193 : i32
    %rem3A_198 = arith.remsi %arg1, %select_n3A_197 : i32
    %ne3A_199 = arith.constant 0 : i32
    %ne3A_200 = arith.cmpi ne, %rem3A_198, %ne3A_199 : i32
    %lt3A_201 = arith.constant 0 : i32
    %lt3A_202 = arith.cmpi slt, %rem3A_198, %lt3A_201 : i32
    %lt3A_203 = arith.constant 0 : i32
    %lt3A_204 = arith.cmpi slt, %select_n3A_197, %lt3A_203 : i32
    %ne3A_205 = arith.xori %lt3A_202, %lt3A_204 : i1
    %and3A_206 = arith.andi %ne3A_205, %ne3A_200 : i1
    %add3A_207 = arith.addi %rem3A_198, %select_n3A_197 : i32
    %select_n3A_208 = arith.select %and3A_206, %add3A_207, %rem3A_198 : i32
    %mul3A_209 = arith.constant 1024 : i32
    %mul3A_210 = arith.muli %select_n3A_208, %mul3A_209 : i32
    %mul3A_211 = arith.constant 1024 : i32
    %mul3A_212 = arith.muli %arg1, %mul3A_211 : i32
    "tpu.region"() ({
      %run_scoped3A = tpu.sem_alloc : memref<!tpu.dma_semaphore, #tpu.memory_space<semaphore_mem>>
      %dma_start3A_213 = tpu.memref_slice %arg3[%add3A_192, %mul3A_210] : memref<8x4096xf32, #tpu.memory_space<hbm>> -> memref<1x1024xf32, #tpu.memory_space<hbm>>
      %dma_start3A_214 = tpu.memref_squeeze %dma_start3A_213 : memref<1x1024xf32, #tpu.memory_space<hbm>> -> memref<1024xf32, #tpu.memory_space<hbm>>
      %dma_start3A_215 = tpu.memref_slice %arg9[%mul3A_212] : memref<16384xf32, #tpu.memory_space<vmem_shared>> -> memref<1024xf32, #tpu.memory_space<vmem_shared>>
      tpu.enqueue_dma source(%dma_start3A_215 : memref<1024xf32, #tpu.memory_space<vmem_shared>>) target(%dma_start3A_214 : memref<1024xf32, #tpu.memory_space<hbm>>) target_semaphore(%run_scoped3A : memref<!tpu.dma_semaphore, #tpu.memory_space<semaphore_mem>>)
      %dma_wait3A_216 = tpu.memref_slice %arg3[%add3A_192, %mul3A_210] : memref<8x4096xf32, #tpu.memory_space<hbm>> -> memref<1x1024xf32, #tpu.memory_space<hbm>>
      %dma_wait3A_217 = tpu.memref_squeeze %dma_wait3A_216 : memref<1x1024xf32, #tpu.memory_space<hbm>> -> memref<1024xf32, #tpu.memory_space<hbm>>
      %dma_wait3A_218 = tpu.memref_slice %arg9[%mul3A_212] : memref<16384xf32, #tpu.memory_space<vmem_shared>> -> memref<1024xf32, #tpu.memory_space<vmem_shared>>
      tpu.wait_dma2 semaphore(%run_scoped3A : memref<!tpu.dma_semaphore, #tpu.memory_space<semaphore_mem>>) src(%dma_wait3A_218 : memref<1024xf32, #tpu.memory_space<vmem_shared>>) dst(%dma_wait3A_217 : memref<1024xf32, #tpu.memory_space<hbm>>)
      tpu.yield
    }) : () -> ()
    return
  }
}

</mosaic_0001>

<sc_bundles>
// kernel: kernel.3.cloned.1.call-start
scs
__scs_entry_jumppad:
0x0: {  	(pc) =	sbr.rel $0x88, $3  }
0x1: {  	(tag) =	ssettag $0x0;
	lr =	simm.s32 $0x1  }
0x2: {  	[smem:$0x3FA0] =	sst lr;
	_ =	strace $0xD0000000  }
0x3: {  	_ = 	snop  }
0x4: {  	_ = 	snop  }
0x5: {  	_ = 	snop  }
0x6: {  	_ = 	snop  }
0x7: {  	_ = 	snop  }
__scs_overlays_trampoline_lowered:
0x8: {  	[smem:$0x3FAF] =	sst s0  }
0x9: {  	[smem:$0x3FB0] =	sst s1  }
0xa: {  	[smem:$0x3FB1] =	sst s2  }
0xb: {  	[smem:$0x3FB2] =	sst s3  }
0xc: {  	[smem:$0x3FB3] =	sst s4  }
0xd: {  	[smem:$0x3FB4] =	sst s5  }
0xe: {  	[smem:$0x3FB5] =	sst s6  }
0xf: {  	[smem:$0x3FB6] =	sst s7  }
0x10: {  	[smem:$0x3FB7] =	sst s8  }
0x11: {  	[smem:$0x3FB8] =	sst s9;
	s0 =	simm.s32 @!p0 $0x0  }
0x12: {  	s1 =	sld [smem:$0x3F9E];
	s0 =	simm.s32 @p0 $0x1  }
0x13: {  	[smem:$0x3FB9] =	sst s0;
	s0 =	simm.s32 @!p1 $0x0  }
0x14: {  	s2 =	sld [smem:$0x3F9D];
	s0 =	simm.s32 @p1 $0x1  }
0x15: {  	[smem:$0x3FBA] =	sst s0;
	s0 =	simm.s32 @!p2 $0x0  }
0x16: {  	s3 =	sld [smem:$0x3FDB];
	s0 =	simm.s32 @p2 $0x1  }
0x17: {  	s4 =	simm.s32 $0x1BF5;
	[smem:$0x3FBC] =	sst s0  }
0x18: {  	s0 =	sld [smem:$0x3F9F];
	_ =	swait.ge [sflag:s4], $0x0  }
0x19: {  	s7 =	sld [smem:$0x3FA0]  }
0x1a: {  	s8 =	sadd.s32 $0xFFFFE003, lr  }
0x1b: {  	s9 =	sadd.s32 $0xFFFFFEF7, lr;
	s5 =	simm.s32 $0xFFFFFFFF;
	p2 =	slt.u32 s8, $0xFFFFF086  }
0x1c: {  	p1 =	slt.u32 s9, $0xF7A;
	s5 =	simm.s32 @!p2 $0x0  }
0x1d: {  	s5 =	simm.s32 @p1 $0x1;
	p0 =	seq.s32 s7, s2  }
0x1e: {  	s7 =	smul.u32 @!p0 $0xF7A, s2;
	p2 =	seq.s32 @!p0 s5, $0x0  }
0x1f: {  	s9 =	smul.u32 $0xF7A, s1;
	s8 =	simm.s32 @!p0 $0x1BF5;
	p2 =	por !p2, p0  }
0x20: {  	[sflag:s8] =	ssyncset.s32 @!p0 $0xFFFFF086;
	s6 =	sadd.s32 @!p0 s3, s7;
	s7 =	simm.s32 @!p0 $0x108  }
0x21: {  	s3 =	sadd.s32 s3, s9;
	s6 =	sadd.s32 @!p0 $0x88, s6;
	s7 =	simm.s32 @p2 $0x1082  }
0x22: {  	[simem:s7], [sflag:s8] =	dma.local @!p0 [hbm:s6], $0xF7A  }
0x23: {  	s9 =	sor.u32 $0xD0000000, s2;
	s6 =	simm.s32 $0x108;
	_ =	swait.ge @!p0 [sflag:s8], $0x0  }
0x24: {  	s3 =	sadd.s32 $0x88, s3;
	s6 =	simm.s32 @!p1 $0x1082;
	[sflag:s4] =	ssyncset.s32 $0xFFFFF086  }
0x25: {  	[simem:s6], [sflag:s4] =	dma.local [hbm:s3], $0xF7A  }
0x26: {  	[smem:$0x3FA0] =	sst s1;
	(tag) =	ssettag s2;
	_ =	strace s9  }
0x27: {  	s1 =	sld [smem:$0x3FB0]  }
0x28: {  	s2 =	sld [smem:$0x3FB1]  }
0x29: {  	s4 =	sld [smem:$0x3FB3]  }
0x2a: {  	p0 =	seq.s32 s5, $0x0;
	s5 =	sld [smem:$0x3FB4]  }
0x2b: {  	s6 =	sld [smem:$0x3FB5]  }
0x2c: {  	s7 =	sld [smem:$0x3FB6]  }
0x2d: {  	s3 =	simm.s32 $0x108;
	s8 =	sld [smem:$0x3FB7]  }
0x2e: {  	s3 =	simm.s32 @!p0 $0x1082;
	s9 =	sld [smem:$0x3FB8]  }
0x2f: {  	lr =	sadd.s32 s0, s3;
	s0 =	sld [smem:$0x3FAF]  }
0x30: {  	s3 =	sld [smem:$0x3FB2]  }
0x31: {  	[smem:$0x3FBB] =	sst s10  }
0x32: {  	s10 =	sld [smem:$0x3FB9];
	_ =	sdelay $0x3  }
0x33: {  	p0 =	seq.s32 s10, $0x1;
	s10 =	sld [smem:$0x3FBB];
	_ =	sdelay $0x3  }
0x34: {  	[smem:$0x3FBB] =	sst s10  }
0x35: {  	s10 =	sld [smem:$0x3FBA];
	_ =	sdelay $0x3  }
0x36: {  	p1 =	seq.s32 s10, $0x1;
	s10 =	sld [smem:$0x3FBB];
	_ =	sdelay $0x3  }
0x37: {  	[smem:$0x3FBB] =	sst s10  }
0x38: {  	s10 =	sld [smem:$0x3FBC]  }
0x39: {  	_ = 	snop;
	(pc) =	sbr.ind lr, $3  }
0x3a: {  	_ = 	snop  }
0x3b: {  	_ = 	snop  }
0x3c: {  	p2 =	seq.s32 s10, $0x1;
	s10 =	sld [smem:$0x3FBB]  }
0x3d: {  	_ =	shalt  }
0x3e: {  	_ =	shalt  }
0x3f: {  	_ =	shalt  }
0x40: {  	_ =	shalt  }
0x41: {  	_ =	shalt  }
0x42: {  	_ =	shalt  }
0x43: {  	_ =	shalt  }
0x44: {  	_ =	shalt  }
0x45: {  	_ =	shalt  }
0x46: {  	_ =	shalt  }
0x47: {  	_ =	shalt  }
0x48: {  	_ =	shalt  }
0x49: {  	_ =	shalt  }
0x4a: {  	_ =	shalt  }
0x4b: {  	_ =	shalt  }
0x4c: {  	_ =	shalt  }
0x4d: {  	_ =	shalt  }
0x4e: {  	_ =	shalt  }
0x4f: {  	_ =	shalt  }
0x50: {  	_ =	shalt  }
0x51: {  	_ =	shalt  }
0x52: {  	_ =	shalt  }
0x53: {  	_ =	shalt  }
0x54: {  	_ =	shalt  }
0x55: {  	_ =	shalt  }
0x56: {  	_ =	shalt  }
0x57: {  	_ =	shalt  }
0x58: {  	_ =	shalt  }
0x59: {  	_ =	shalt  }
0x5a: {  	_ =	shalt  }
0x5b: {  	_ =	shalt  }
0x5c: {  	_ =	shalt  }
0x5d: {  	_ =	shalt  }
0x5e: {  	_ =	shalt  }
0x5f: {  	_ =	shalt  }
0x60: {  	_ =	shalt  }
0x61: {  	_ =	shalt  }
0x62: {  	_ =	shalt  }
0x63: {  	_ =	shalt  }
0x64: {  	_ =	shalt  }
0x65: {  	_ =	shalt  }
0x66: {  	_ =	shalt  }
0x67: {  	_ =	shalt  }
0x68: {  	_ =	shalt  }
0x69: {  	_ =	shalt  }
0x6a: {  	_ =	shalt  }
0x6b: {  	_ =	shalt  }
0x6c: {  	_ =	shalt  }
0x6d: {  	_ =	shalt  }
0x6e: {  	_ =	shalt  }
0x6f: {  	_ =	shalt  }
0x70: {  	_ =	shalt  }
0x71: {  	_ =	shalt  }
0x72: {  	_ =	shalt  }
0x73: {  	_ =	shalt  }
0x74: {  	_ =	shalt  }
0x75: {  	_ =	shalt  }
0x76: {  	_ =	shalt  }
0x77: {  	_ =	shalt  }
0x78: {  	_ =	shalt  }
0x79: {  	_ =	shalt  }
0x7a: {  	_ =	shalt  }
0x7b: {  	_ =	shalt  }
0x7c: {  	_ =	shalt  }
0x7d: {  	_ =	shalt  }
0x7e: {  	_ =	shalt  }
0x7f: {  	_ =	shalt  }
0x80: {  	_ =	shalt  }
0x81: {  	_ =	shalt  }
0x82: {  	_ =	shalt  }
0x83: {  	_ =	shalt  }
0x84: {  	_ =	shalt  }
0x85: {  	_ =	shalt  }
0x86: {  	_ =	shalt  }
0x87: {  	_ =	shalt  }
.Lfunc_end0:
.L_simem_size_0:
called_computation_lowered:
.L_overlay_start_0:
0x88: {  	s2 =	sld [smem:$0x3FD9]  }
0x89: {  	s3 =	sld [smem:$0x3FFE];
	_ =	sdelay $0x1  }
0x8a: {  	s1 =	srdreg.scid  }
0x8b: {  	s0 =	sand.u32 $0x1, s1  }
0x8c: {  	s18 =	sshll.u32 s0, $0xA;
	s2 =	sadd.s32 s3, s2  }
0x8d: {  	s2 =	sadd.s32 s2, s18  }
0x8e: {  	[smem:$0x3FC7] =	sst s2  }
0x8f: {  	_ = 	snop  }
0x90: {  	s2 =	sld [smem:$0x3FC9]  }
0x91: {  	s19 =	sld [smem:$0x3FD0];
	(tm) =	ssettm $0x1  }
0x92: {  	s4 =	sld [smem:$0x3FFB];
	_ =	sdelay $0x3  }
0x93: {  	_ =	strace s4  }
0x94: {  	s4 =	sld [smem:$0x3FFC];
	_ =	sdelay $0x3  }
0x95: {  	_ =	strace s4  }
0x96: {  	s4 =	sld [smem:$0x3FFD];
	_ =	sdelay $0x3  }
0x97: {  	_ =	strace s4  }
0x98: {  	_ =	strace $0x8FFFFFFF  }
0x99: {  	s20 =	sld [smem:$0x3FDB];
	_ =	sdelay $0x1  }
0x9a: {  	s5 =	simm.s32 $_scs_section_size  }
0x9b: {  	s6 =	simm.s32 $_size__tile_overlayer_lowered;
	s7 =	simm.s32 $_tile_overlayer_lowered  }
0x9c: {  	s23 =	simm.s32 $0x1BFF;
	s22 =	sshll.u32 s7, $0x1;
	s4 =	sadd.s32 s5, s20  }
0x9d: {  	s8 =	simm.s32 $0x0;
	s21 =	sshll.u32 s6, $0x1;
	s6 =	sadd.s32 s22, s4  }
0x9e: {  	[timem:s8], [sflag:s23] =	dma.local [hbm:s6], s21  }
0x9f: {  	_ =	swait.ge [sflag:s23], s21  }
0xa0: {  	s5 =	ssub.s32 $0x0, s21;
	[sflag:s23] =	ssyncset.done $0x0  }
0xa1: {  	[sflag:s23] =	ssyncadd.s32 s5;
	_ =	sdelay $0x1  }
0xa2: {  	s24 =	simm.s32 $0x1B8B  }
0xa3: {  	_ =	swait.ge [sflag:s24], $0x1  }
0xa4: {  	[sflag:s24] =	ssyncset.done $0x0  }
0xa5: {  	s25 =	simm.s32 $0x1B8E;
	[sflag:s24] =	ssyncadd.s32 $0xFFFFFFFF  }
0xa6: {  	s26 =	simm.s32 $execute0_lowered;
	[smem:$0x3FD2] =	sst s25  }
0xa7: {  	s5 =	sshll.u32 s26, $0x1;
	_ =	strace $0x80000046;
	[dreg:$0x1] =	wrdreg $0xFFFFFFFF  }
0xa8: {  	s28 =	simm.s32 $_size_execute0_lowered;
	s4 =	sadd.s32 s4, s5;
	[dreg:$0x0] =	wrdreg $0x0  }
0xa9: {  	s5 =	sshll.u32 s28, $0x1;
	[dreg:$0x2] =	wrdreg s4  }
0xaa: {  	[dreg:$0x3] =	wrdreg s5  }
0xab: {  	[dreg:$0x4] =	wrdreg $0xC0  }
0xac: {  	_ =	task [dreg:s8], $0x5FFFF  }
0xad: {  	[dreg:$0x1] =	wrdreg $0xFFFFFFFF  }
0xae: {  	[dreg:$0x0] =	wrdreg $0x60  }
0xaf: {  	[dreg:$0x2] =	wrdreg s2  }
0xb0: {  	[dreg:$0x3] =	wrdreg s19  }
0xb1: {  	[dreg:$0x4] =	wrdreg $0xA800  }
0xb2: {  	[dreg:$0x5] =	wrdreg $0x9  }
0xb3: {  	_ =	task.clear_ibuf [dreg:s8], $0x6FFFF;
	_ =	strace $0x90000046  }
0xb4: {  	s29 =	simm.s32 $0x9;
	_ =	strace $0x80000048  }
0xb5: {  	_ =	swait.ge [sflag:s29], $0x1  }
0xb6: {  	[sflag:s29] =	ssyncadd.s32 $0xFFFFFFFF  }
0xb7: {  	_ =	strace $0x90000048  }
0xb8: {  	_ =	sfence  }
0xb9: {  	s30 =	sld [smem:$0x0];
	_ =	sdelay $0x2  }
0xba: {  	s31 =	sshll.u32 s1, $0xD;
	s1 =	sshrl.u32 s1, $0x2  }
0xbb: {  	s3 =	sand.u32 $0x4000, s31;
	s1 =	sadd.s32 s1, s30  }
0xbc: {  	s0 =	sor.u32 s3, s0;
	s1 =	sshll.u32 s1, $0x11  }
0xbd: {  	s0 =	sor.u32 s1, s0  }
0xbe: {  	s0 =	sadd.s32 $0x8F2B, s0  }
0xbf: {  	[sflag:s0] =	ssyncadd.remote.s32 $0x1  }
0xc0: {  	_ =	sfence.sel $0xFFFF  }
0xc1: {  	[dreg:$0x0] =	wrdreg $0xFFFFFFFF;
	(pc) =	sbr.abs _section_cstart, $3  }
0xc2: {  	[dreg:$0x1] =	wrdreg $0xFFFFFFFF  }
0xc3: {  	_ =	task.clear_ibuf [dreg:s8], $0x2FFFF;
	_ =	strace $0x9FFFFFFF  }
0xc4: {  	(tm) =	ssettm $0x7FFFFFFF  }
0xc5: {  	_ =	shalt  }
tec
execute0_lowered:
.L_overlay_start_1:
0x0: {  	(tag) =	ssettag $0x1  }
0x1: {  	s4 =	rddreg [dreg:$0x0]  }
0x2: {  	s1 =	srdreg.scid;
	s6 =	rddreg [dreg:$0x1]  }
0x3: {  	s0 =	stileid.u32;
	s2 =	rddreg [dreg:$0x2]  }
0x4: {  	s12 =	simm.s32 $0x680;
	s13 =	simm.s32 $0x3;
	s14 =	simm.s32 $0x1  }
0x5: {  	s15 =	simm.s32 $0x400;
	s16 =	simm.s32 $0x600;
	s18 =	simm.s32 $0x500  }
0x6: {  	s19 =	simm.s32 $0x580;
	s20 =	simm.s32 $0x2;
	s21 =	simm.s32 $0x10  }
0x7: {  	s22 =	simm.s32 $0x0;
	s5 =	sand.u32 $0x1, s1;
	s7 =	sshrl.u32 s0, $0x2  }
0x8: {  	s1 =	rddreg [dreg:$0x3];
	s8 =	sand.u32 $0x3, s0;
	s31 =	sshll.u32 s0, $0xA  }
0x9: {  	s3 =	sshll.u32 s5, $0x2;
	s11 =	sshll.u32 s8, $0x7;
	s5 =	ssub.s32 $0x2, s5  }
0xa: {  	s8 =	sshll.u32 s8, $0xA;
	s17 =	sshll.u32 s7, $0xC;
	s9 =	sor.u32 s7, s3  }
0xb: {  	s3 =	simm.s32 $0x0;
	s29 =	sshrl.u32 s5, $0x1;
	s8 =	sadd.s32 s6, s8  }
0xc: {  	s6 =	sadd.s32 s31, s2;
	v0 =	vmov s17;
	s17 =	simm.s32 $0x480;
	s10 =	sshll.u32 s9, $0x9  }
0xd: {  	[smem:$0x7FF] =	sst s3;
	s30 =	ssub.s32 s5, s29;
	s9 =	sshll.u32 s9, $0x4  }
0xe: {  	s10 =	sor.u32 s11, s10;
	_ =	strace $0x80000047;
	s7 =	sadd.s32 s9, s8  }
0xf: {  	s8 =	smax.u32 s30, $0x1;
	s9 =	simm.s32 $0x80;
	s4 =	sadd.s32 s4, s10  }
0x10: {  	v1 =	vimm.f32 $0.0e+00;
	v2 =	vimm.f32 $4.882812500e-04;
	v3 =	vimm.s32 $0x0;
	s11 =	simm.s32 $0x200;
	s10 =	simm.s32 $0x100;
	s5 =	sadd.s32 $0x10, s4  }
.LBB2_1:
0x11: {  	[tilespmem:s3], [sflag:$0x1] =	stream.strided.gather [hbm4b:s4+s9], $0x200, s10, s9, $0x38;
	[tilespmem:$0xE80] =	vst v63  }
0x12: {  	s23 =	simm.s32 $0x40;
	s24 =	simm.s32 $0x0  }
0x13: {  	[tilespmem:s11], [sflag:$0x1] =	stream.strided.gather [hbm4b:s5+s9], $0x200, s10, s9, $0x38;
	[tilespmem:$0xE80] =	vst v63  }
.LBB2_2:
0x14: {  	p0 =	sne.s32 s23, $0xFC0;
	[tilespmem:s24+$0x680] =	vst v1;
	s24 =	smov.u32 s23;
	s23 =	sadd.s32 $0x40, s23  }
.Ltmp0:
0x15: {  	(pc) =	sbr.rel @p0 .LBB2_2-.Ltmp0, $2  }
0x16: {  	_ =	sdelay $0x2  }
0x17: {  	s24 =	sshra.s32 s24, $0x2  }
0x18: {  	[tilespmem:s24+$0x680] =	vst v1  }
0x19: {  	[spmem:s6] =	stream.linear.scatter [tilespmem:s12], [sflag:$0x3], $0x400, $0x38;
	[tilespmem:$0xE80] =	vst v63  }
0x1a: {  	_ =	swait.ge [sflag:s13], $0x400  }
0x1b: {  	[sflag:s13] =	ssyncset.done $0x0  }
0x1c: {  	[sflag:s13] =	ssyncadd.s32 $0xFFFFFC00  }
0x1d: {  	[tilespmem:$0x600] =	vst v2  }
0x1e: {  	[tilespmem:$0x610] =	vst v2  }
0x1f: {  	[tilespmem:$0x620] =	vst v2  }
0x20: {  	[tilespmem:$0x630] =	vst v2  }
0x21: {  	[tilespmem:$0x640] =	vst v2  }
0x22: {  	[tilespmem:$0x650] =	vst v2  }
0x23: {  	[tilespmem:$0x660] =	vst v2  }
0x24: {  	[tilespmem:$0x670] =	vst v2  }
0x25: {  	[bflag:$0x0] =	sbarrier.arrive $0xFFFF  }
0x26: {  	_ =	swait.ge [sflag:s14], $0x200  }
0x27: {  	[sflag:s14] =	ssyncset.done $0x0  }
0x28: {  	[sflag:s14] =	ssyncadd.s32 $0xFFFFFE00  }
0x29: {  	_ =	swait.ge [sflag:s14], $0x200  }
0x2a: {  	[sflag:s14] =	ssyncset.done $0x0  }
0x2b: {  	s23 =	simm.s32 $0x0;
	[sflag:s14] =	ssyncadd.s32 $0xFFFFFE00  }
0x2c: {  	v4 =	vld [tilespmem:s23+$0x200]  }
0x2d: {  	v5 =	vld [tilespmem:s23+$0x0];
	_ =	sdelay $0x1  }
0x2e: {  	s24 =	simm.s32 $0x10  }
0x2f: {  	v7 =	vld [tilespmem:s24+$0x200]  }
0x30: {  	v4 =	vmul.f32 $3.200000000e+01, v4  }
0x31: {  	v5 =	vmul.f32 $3.200000000e+01, v5  }
0x32: {  	v6 =	vld [tilespmem:s24+$0x0];
	v4 =	vmax.f32 v4, $-3.300000000e+01  }
0x33: {  	v5 =	vmax.f32 v5, $-3.300000000e+01;
	v4 =	vmin.f32 v4, $3.300000000e+01  }
0x34: {  	v7 =	vmul.f32 $3.200000000e+01, v7;
	v5 =	vmin.f32 v5, $3.300000000e+01;
	v8 =	vtrunc.f32 v4  }
0x35: {  	v9 =	vtrunc.f32 v5;
	v10 =	vcvt.f32.s32 v8;
	vm0 =	vgt.f32 v4, v8  }
0x36: {  	v8 =	vcvt.f32.s32 v9;
	vm13 =	vgt.f32 v5, v9;
	v4 =	vsel vm0, $0x1, v3  }
0x37: {  	v5 =	vmul.f32 $3.200000000e+01, v6;
	v6 =	vsel vm13, $0x1, v3;
	v4 =	vadd.s32 v4, v10  }
0x38: {  	v6 =	vadd.s32 v6, v8;
	v4 =	vadd.s32 $0x1F, v4  }
0x39: {  	v7 =	vmax.f32 v7, $-3.300000000e+01;
	v8 =	vadd.s32 $0x1F, v6;
	vm14 =	vgt.s32 v4, $0x0  }
0x3a: {  	s25 =	simm.s32 $0x20;
	v7 =	vmin.f32 v7, $3.300000000e+01;
	vm15 =	vgt.s32 v8, $0x0;
	v9 =	vnsel vm14, $0x0, v4  }
0x3b: {  	v5 =	vmax.f32 v5, $-3.300000000e+01;
	v4 =	vld [tilespmem:s25+$0x0];
	v10 =	vnsel vm15, $0x0, v8;
	v9 =	vmin.u32 v9, $0x3F  }
0x3c: {  	s26 =	simm.s32 $0xC0;
	v6 =	vmin.f32 v5, $3.300000000e+01;
	v5 =	vld [tilespmem:s25+$0x200];
	v8 =	vshll.u32 v9, $0x6;
	v9 =	vmin.u32 v10, $0x3F  }
.LBB2_4:
0x3d: {  	p0 =	sne.s32 s26, $0x1C0;
	v10 =	vtrunc.f32 v7;
	v11 =	vtrunc.f32 v6;
	v8 =	vor.u32 v9, v8  }
0x3e: {  	v9 =	vcvt.f32.s32 v10;
	vm0 =	vgt.f32 v7, v10;
	v7 =	vor.u32 v0, v8  }
0x3f: {  	v10 =	vcvt.f32.s32 v11;
	v8 =	vsel vm0, $0x1, v3;
	vm0 =	vgt.f32 v6, v11;
	[tilespmem:s23+$0x400] =	vst v7;
	s23 =	smov.u32 s24;
	s24 =	smov.u32 s25  }
0x40: {  	v4 =	vmul.f32 $3.200000000e+01, v4;
	v6 =	vadd.s32 v8, v9;
	v7 =	vsel vm0, $0x1, v3  }
.Ltmp1:
0x41: {  	v5 =	vmul.f32 $3.200000000e+01, v5;
	v6 =	vadd.s32 $0x1F, v6;
	v7 =	vadd.s32 v7, v10;
	(pc) =	sbr.rel @p0 .LBB2_4-.Ltmp1, $4  }
0x42: {  	v8 =	vmax.f32 v4, $-3.300000000e+01;
	vm0 =	vgt.s32 v6, $0x0;
	v7 =	vadd.s32 $0x1F, v7  }
0x43: {  	s25 =	sshra.s32 s26, $0x2;
	v9 =	vmax.f32 v5, $-3.300000000e+01;
	v5 =	vnsel vm0, $0x0, v6;
	vm0 =	vgt.s32 v7, $0x0  }
0x44: {  	v6 =	vmin.f32 v8, $3.300000000e+01;
	v4 =	vld [tilespmem:s25+$0x0];
	v8 =	vmin.u32 v5, $0x3F;
	v10 =	vnsel vm0, $0x0, v7  }
0x45: {  	s26 =	sadd.s32 $0x40, s26;
	v7 =	vmin.f32 v9, $3.300000000e+01;
	v5 =	vld [tilespmem:s25+$0x200];
	v8 =	vshll.u32 v8, $0x6;
	v9 =	vmin.u32 v10, $0x3F  }
0x46: {  	_ = 	snop  }
0x47: {  	v10 =	vtrunc.f32 v7;
	v11 =	vtrunc.f32 v6  }
0x48: {  	v8 =	vor.u32 v9, v8;
	v9 =	vcvt.f32.s32 v10;
	vm0 =	vgt.f32 v7, v10  }
0x49: {  	v10 =	vcvt.f32.s32 v11;
	vm5 =	vgt.f32 v6, v11;
	v7 =	vsel vm0, $0x1, v3  }
0x4a: {  	v4 =	vmul.f32 $3.200000000e+01, v4;
	v6 =	vadd.s32 v7, v9;
	v5 =	vmul.f32 $3.200000000e+01, v5  }
0x4b: {  	v7 =	vor.u32 v0, v8;
	v8 =	vsel vm5, $0x1, v3;
	v6 =	vadd.s32 $0x1F, v6  }
0x4c: {  	v8 =	vadd.s32 v8, v10;
	v4 =	vmax.f32 v4, $-3.300000000e+01;
	v5 =	vmax.f32 v5, $-3.300000000e+01  }
0x4d: {  	vm6 =	vgt.s32 v6, $0x0;
	v8 =	vadd.s32 $0x1F, v8;
	v5 =	vmin.f32 v5, $3.300000000e+01  }
0x4e: {  	v6 =	vnsel vm6, $0x0, v6;
	v4 =	vmin.f32 v4, $3.300000000e+01;
	v9 =	vtrunc.f32 v5  }
0x4f: {  	v10 =	vtrunc.f32 v4;
	v11 =	vcvt.f32.s32 v9;
	vm7 =	vgt.f32 v5, v9  }
0x50: {  	vm8 =	vgt.f32 v4, v10;
	v9 =	vcvt.f32.s32 v10;
	v5 =	vsel vm7, $0x1, v3  }
0x51: {  	vm9 =	vgt.s32 v8, $0x0;
	v4 =	vsel vm8, $0x1, v3;
	v5 =	vadd.s32 v5, v11  }
0x52: {  	v6 =	vmin.u32 v6, $0x3F;
	v4 =	vadd.s32 v4, v9;
	v5 =	vadd.s32 $0x1F, v5  }
0x53: {  	v8 =	vnsel vm9, $0x0, v8;
	v4 =	vadd.s32 $0x1F, v4;
	vm10 =	vgt.s32 v5, $0x0  }
0x54: {  	v6 =	vshll.u32 v6, $0x6;
	vm11 =	vgt.s32 v4, $0x0;
	v5 =	vnsel vm10, $0x0, v5  }
0x55: {  	v8 =	vmin.u32 v8, $0x3F;
	v4 =	vnsel vm11, $0x0, v4;
	v5 =	vmin.u32 v5, $0x3F  }
0x56: {  	v6 =	vor.u32 v8, v6;
	v4 =	vmin.u32 v4, $0x3F;
	v5 =	vshll.u32 v5, $0x6  }
0x57: {  	[tilespmem:s23+$0x400] =	vst v7;
	v6 =	vor.u32 v0, v6;
	v4 =	vor.u32 v4, v5  }
0x58: {  	[tilespmem:s24+$0x400] =	vst v6;
	v4 =	vor.u32 v0, v4  }
0x59: {  	s23 =	simm.s32 $0x0;
	[tilespmem:s25+$0x400] =	vst v4  }
0x5a: {  	[spmem:s2] =	stream.indirect.scatter.add.f32 [tilespmem:s16], [sflag:$0x2], $0x1, s15, s9, $0xb8;
	[tilespmem:$0xE80] =	vst v63  }
0x5b: {  	v4 =	vld [tilespmem:s23+$0x280]  }
0x5c: {  	v5 =	vld [tilespmem:s23+$0x80];
	_ =	sdelay $0x1  }
0x5d: {  	s24 =	simm.s32 $0x10  }
0x5e: {  	v7 =	vld [tilespmem:s24+$0x280]  }
0x5f: {  	v4 =	vmul.f32 $3.200000000e+01, v4  }
0x60: {  	v5 =	vmul.f32 $3.200000000e+01, v5  }
0x61: {  	v6 =	vld [tilespmem:s24+$0x80];
	v4 =	vmax.f32 v4, $-3.300000000e+01  }
0x62: {  	v5 =	vmax.f32 v5, $-3.300000000e+01;
	v4 =	vmin.f32 v4, $3.300000000e+01  }
0x63: {  	v7 =	vmul.f32 $3.200000000e+01, v7;
	v5 =	vmin.f32 v5, $3.300000000e+01;
	v8 =	vtrunc.f32 v4  }
0x64: {  	v9 =	vtrunc.f32 v5;
	v10 =	vcvt.f32.s32 v8;
	vm12 =	vgt.f32 v4, v8  }
0x65: {  	v8 =	vcvt.f32.s32 v9;
	vm13 =	vgt.f32 v5, v9;
	v4 =	vsel vm12, $0x1, v3  }
0x66: {  	v5 =	vmul.f32 $3.200000000e+01, v6;
	v6 =	vsel vm13, $0x1, v3;
	v4 =	vadd.s32 v4, v10  }
0x67: {  	v6 =	vadd.s32 v6, v8;
	v4 =	vadd.s32 $0x1F, v4  }
0x68: {  	v7 =	vmax.f32 v7, $-3.300000000e+01;
	v8 =	vadd.s32 $0x1F, v6;
	vm14 =	vgt.s32 v4, $0x0  }
0x69: {  	s25 =	simm.s32 $0x20;
	v7 =	vmin.f32 v7, $3.300000000e+01;
	vm15 =	vgt.s32 v8, $0x0;
	v9 =	vnsel vm14, $0x0, v4  }
0x6a: {  	v5 =	vmax.f32 v5, $-3.300000000e+01;
	v4 =	vld [tilespmem:s25+$0x80];
	v10 =	vnsel vm15, $0x0, v8;
	v9 =	vmin.u32 v9, $0x3F  }
0x6b: {  	s26 =	simm.s32 $0xC0;
	v6 =	vmin.f32 v5, $3.300000000e+01;
	v5 =	vld [tilespmem:s25+$0x280];
	v8 =	vshll.u32 v9, $0x6;
	v9 =	vmin.u32 v10, $0x3F  }
.LBB2_6:
0x6c: {  	p0 =	sne.s32 s26, $0x1C0;
	v10 =	vtrunc.f32 v7;
	v11 =	vtrunc.f32 v6;
	v8 =	vor.u32 v9, v8  }
0x6d: {  	v9 =	vcvt.f32.s32 v10;
	vm0 =	vgt.f32 v7, v10;
	v7 =	vor.u32 v0, v8  }
0x6e: {  	v10 =	vcvt.f32.s32 v11;
	v8 =	vsel vm0, $0x1, v3;
	vm0 =	vgt.f32 v6, v11;
	[tilespmem:s23+$0x480] =	vst v7;
	s23 =	smov.u32 s24;
	s24 =	smov.u32 s25  }
0x6f: {  	v4 =	vmul.f32 $3.200000000e+01, v4;
	v6 =	vadd.s32 v8, v9;
	v7 =	vsel vm0, $0x1, v3  }
.Ltmp2:
0x70: {  	v5 =	vmul.f32 $3.200000000e+01, v5;
	v6 =	vadd.s32 $0x1F, v6;
	v7 =	vadd.s32 v7, v10;
	(pc) =	sbr.rel @p0 .LBB2_6-.Ltmp2, $4  }
0x71: {  	v8 =	vmax.f32 v4, $-3.300000000e+01;
	vm0 =	vgt.s32 v6, $0x0;
	v7 =	vadd.s32 $0x1F, v7  }
0x72: {  	s25 =	sshra.s32 s26, $0x2;
	v9 =	vmax.f32 v5, $-3.300000000e+01;
	v5 =	vnsel vm0, $0x0, v6;
	vm0 =	vgt.s32 v7, $0x0  }
0x73: {  	v6 =	vmin.f32 v8, $3.300000000e+01;
	v4 =	vld [tilespmem:s25+$0x80];
	v8 =	vmin.u32 v5, $0x3F;
	v10 =	vnsel vm0, $0x0, v7  }
0x74: {  	s26 =	sadd.s32 $0x40, s26;
	v7 =	vmin.f32 v9, $3.300000000e+01;
	v5 =	vld [tilespmem:s25+$0x280];
	v8 =	vshll.u32 v8, $0x6;
	v9 =	vmin.u32 v10, $0x3F  }
0x75: {  	_ = 	snop  }
0x76: {  	v10 =	vtrunc.f32 v7;
	v11 =	vtrunc.f32 v6  }
0x77: {  	v8 =	vor.u32 v9, v8;
	v9 =	vcvt.f32.s32 v10;
	vm0 =	vgt.f32 v7, v10  }
0x78: {  	v10 =	vcvt.f32.s32 v11;
	vm5 =	vgt.f32 v6, v11;
	v7 =	vsel vm0, $0x1, v3  }
0x79: {  	v4 =	vmul.f32 $3.200000000e+01, v4;
	v6 =	vadd.s32 v7, v9;
	v5 =	vmul.f32 $3.200000000e+01, v5  }
0x7a: {  	v7 =	vor.u32 v0, v8;
	v8 =	vsel vm5, $0x1, v3;
	v6 =	vadd.s32 $0x1F, v6  }
0x7b: {  	v8 =	vadd.s32 v8, v10;
	v4 =	vmax.f32 v4, $-3.300000000e+01;
	v5 =	vmax.f32 v5, $-3.300000000e+01  }
0x7c: {  	vm6 =	vgt.s32 v6, $0x0;
	v8 =	vadd.s32 $0x1F, v8;
	v5 =	vmin.f32 v5, $3.300000000e+01  }
0x7d: {  	v6 =	vnsel vm6, $0x0, v6;
	v4 =	vmin.f32 v4, $3.300000000e+01;
	v9 =	vtrunc.f32 v5  }
0x7e: {  	v10 =	vtrunc.f32 v4;
	v11 =	vcvt.f32.s32 v9;
	vm7 =	vgt.f32 v5, v9  }
0x7f: {  	vm8 =	vgt.f32 v4, v10;
	v9 =	vcvt.f32.s32 v10;
	v5 =	vsel vm7, $0x1, v3  }
0x80: {  	vm9 =	vgt.s32 v8, $0x0;
	v4 =	vsel vm8, $0x1, v3;
	v5 =	vadd.s32 v5, v11  }
0x81: {  	v6 =	vmin.u32 v6, $0x3F;
	v4 =	vadd.s32 v4, v9;
	v5 =	vadd.s32 $0x1F, v5  }
0x82: {  	v8 =	vnsel vm9, $0x0, v8;
	v4 =	vadd.s32 $0x1F, v4;
	vm10 =	vgt.s32 v5, $0x0  }
0x83: {  	v6 =	vshll.u32 v6, $0x6;
	vm11 =	vgt.s32 v4, $0x0;
	v5 =	vnsel vm10, $0x0, v5  }
0x84: {  	v8 =	vmin.u32 v8, $0x3F;
	v4 =	vnsel vm11, $0x0, v4;
	v5 =	vmin.u32 v5, $0x3F  }
0x85: {  	v6 =	vor.u32 v8, v6;
	v4 =	vmin.u32 v4, $0x3F;
	v5 =	vshll.u32 v5, $0x6  }
0x86: {  	[tilespmem:s23+$0x480] =	vst v7;
	v6 =	vor.u32 v0, v6;
	v4 =	vor.u32 v4, v5  }
0x87: {  	[tilespmem:s24+$0x480] =	vst v6;
	v4 =	vor.u32 v0, v4  }
0x88: {  	s23 =	simm.s32 $0x0;
	[tilespmem:s25+$0x480] =	vst v4  }
0x89: {  	[spmem:s2] =	stream.indirect.scatter.add.f32 [tilespmem:s16], [sflag:$0x2], $0x1, s17, s9, $0xb8;
	[tilespmem:$0xE80] =	vst v63  }
0x8a: {  	v4 =	vld [tilespmem:s23+$0x300]  }
0x8b: {  	v5 =	vld [tilespmem:s23+$0x100];
	_ =	sdelay $0x1  }
0x8c: {  	s24 =	simm.s32 $0x10  }
0x8d: {  	v7 =	vld [tilespmem:s24+$0x300]  }
0x8e: {  	v4 =	vmul.f32 $3.200000000e+01, v4  }
0x8f: {  	v5 =	vmul.f32 $3.200000000e+01, v5  }
0x90: {  	v6 =	vld [tilespmem:s24+$0x100];
	v4 =	vmax.f32 v4, $-3.300000000e+01  }
0x91: {  	v5 =	vmax.f32 v5, $-3.300000000e+01;
	v4 =	vmin.f32 v4, $3.300000000e+01  }
0x92: {  	v7 =	vmul.f32 $3.200000000e+01, v7;
	v5 =	vmin.f32 v5, $3.300000000e+01;
	v8 =	vtrunc.f32 v4  }
0x93: {  	v9 =	vtrunc.f32 v5;
	v10 =	vcvt.f32.s32 v8;
	vm12 =	vgt.f32 v4, v8  }
0x94: {  	v8 =	vcvt.f32.s32 v9;
	vm13 =	vgt.f32 v5, v9;
	v4 =	vsel vm12, $0x1, v3  }
0x95: {  	v5 =	vmul.f32 $3.200000000e+01, v6;
	v6 =	vsel vm13, $0x1, v3;
	v4 =	vadd.s32 v4, v10  }
0x96: {  	v6 =	vadd.s32 v6, v8;
	v4 =	vadd.s32 $0x1F, v4  }
0x97: {  	v7 =	vmax.f32 v7, $-3.300000000e+01;
	v8 =	vadd.s32 $0x1F, v6;
	vm14 =	vgt.s32 v4, $0x0  }
0x98: {  	s25 =	simm.s32 $0x20;
	v7 =	vmin.f32 v7, $3.300000000e+01;
	vm15 =	vgt.s32 v8, $0x0;
	v9 =	vnsel vm14, $0x0, v4  }
0x99: {  	v5 =	vmax.f32 v5, $-3.300000000e+01;
	v4 =	vld [tilespmem:s25+$0x100];
	v10 =	vnsel vm15, $0x0, v8;
	v9 =	vmin.u32 v9, $0x3F  }
0x9a: {  	s26 =	simm.s32 $0xC0;
	v6 =	vmin.f32 v5, $3.300000000e+01;
	v5 =	vld [tilespmem:s25+$0x300];
	v8 =	vshll.u32 v9, $0x6;
	v9 =	vmin.u32 v10, $0x3F  }
.LBB2_8:
0x9b: {  	p0 =	sne.s32 s26, $0x1C0;
	v10 =	vtrunc.f32 v7;
	v11 =	vtrunc.f32 v6;
	v8 =	vor.u32 v9, v8  }
0x9c: {  	v9 =	vcvt.f32.s32 v10;
	vm0 =	vgt.f32 v7, v10;
	v7 =	vor.u32 v0, v8  }
0x9d: {  	v10 =	vcvt.f32.s32 v11;
	v8 =	vsel vm0, $0x1, v3;
	vm0 =	vgt.f32 v6, v11;
	[tilespmem:s23+$0x500] =	vst v7;
	s23 =	smov.u32 s24;
	s24 =	smov.u32 s25  }
0x9e: {  	v4 =	vmul.f32 $3.200000000e+01, v4;
	v6 =	vadd.s32 v8, v9;
	v7 =	vsel vm0, $0x1, v3  }
.Ltmp3:
0x9f: {  	v5 =	vmul.f32 $3.200000000e+01, v5;
	v6 =	vadd.s32 $0x1F, v6;
	v7 =	vadd.s32 v7, v10;
	(pc) =	sbr.rel @p0 .LBB2_8-.Ltmp3, $4  }
0xa0: {  	v8 =	vmax.f32 v4, $-3.300000000e+01;
	vm0 =	vgt.s32 v6, $0x0;
	v7 =	vadd.s32 $0x1F, v7  }
0xa1: {  	s25 =	sshra.s32 s26, $0x2;
	v9 =	vmax.f32 v5, $-3.300000000e+01;
	v5 =	vnsel vm0, $0x0, v6;
	vm0 =	vgt.s32 v7, $0x0  }
0xa2: {  	v6 =	vmin.f32 v8, $3.300000000e+01;
	v4 =	vld [tilespmem:s25+$0x100];
	v8 =	vmin.u32 v5, $0x3F;
	v10 =	vnsel vm0, $0x0, v7  }
0xa3: {  	s26 =	sadd.s32 $0x40, s26;
	v7 =	vmin.f32 v9, $3.300000000e+01;
	v5 =	vld [tilespmem:s25+$0x300];
	v8 =	vshll.u32 v8, $0x6;
	v9 =	vmin.u32 v10, $0x3F  }
0xa4: {  	_ = 	snop  }
0xa5: {  	v10 =	vtrunc.f32 v7;
	v11 =	vtrunc.f32 v6  }
0xa6: {  	v8 =	vor.u32 v9, v8;
	v9 =	vcvt.f32.s32 v10;
	vm0 =	vgt.f32 v7, v10  }
0xa7: {  	v10 =	vcvt.f32.s32 v11;
	vm5 =	vgt.f32 v6, v11;
	v7 =	vsel vm0, $0x1, v3  }
0xa8: {  	v4 =	vmul.f32 $3.200000000e+01, v4;
	v6 =	vadd.s32 v7, v9;
	v5 =	vmul.f32 $3.200000000e+01, v5  }
0xa9: {  	v7 =	vor.u32 v0, v8;
	v8 =	vsel vm5, $0x1, v3;
	v6 =	vadd.s32 $0x1F, v6  }
0xaa: {  	v8 =	vadd.s32 v8, v10;
	v4 =	vmax.f32 v4, $-3.300000000e+01;
	v5 =	vmax.f32 v5, $-3.300000000e+01  }
0xab: {  	vm6 =	vgt.s32 v6, $0x0;
	v8 =	vadd.s32 $0x1F, v8;
	v5 =	vmin.f32 v5, $3.300000000e+01  }
0xac: {  	v6 =	vnsel vm6, $0x0, v6;
	v4 =	vmin.f32 v4, $3.300000000e+01;
	v9 =	vtrunc.f32 v5  }
0xad: {  	v10 =	vtrunc.f32 v4;
	v11 =	vcvt.f32.s32 v9;
	vm7 =	vgt.f32 v5, v9  }
0xae: {  	vm8 =	vgt.f32 v4, v10;
	v9 =	vcvt.f32.s32 v10;
	v5 =	vsel vm7, $0x1, v3  }
0xaf: {  	vm9 =	vgt.s32 v8, $0x0;
	v4 =	vsel vm8, $0x1, v3;
	v5 =	vadd.s32 v5, v11  }
0xb0: {  	v6 =	vmin.u32 v6, $0x3F;
	v4 =	vadd.s32 v4, v9;
	v5 =	vadd.s32 $0x1F, v5  }
0xb1: {  	v8 =	vnsel vm9, $0x0, v8;
	v4 =	vadd.s32 $0x1F, v4;
	vm10 =	vgt.s32 v5, $0x0  }
0xb2: {  	v6 =	vshll.u32 v6, $0x6;
	vm11 =	vgt.s32 v4, $0x0;
	v5 =	vnsel vm10, $0x0, v5  }
0xb3: {  	v8 =	vmin.u32 v8, $0x3F;
	v4 =	vnsel vm11, $0x0, v4;
	v5 =	vmin.u32 v5, $0x3F  }
0xb4: {  	v6 =	vor.u32 v8, v6;
	v4 =	vmin.u32 v4, $0x3F;
	v5 =	vshll.u32 v5, $0x6  }
0xb5: {  	[tilespmem:s23+$0x500] =	vst v7;
	v6 =	vor.u32 v0, v6;
	v4 =	vor.u32 v4, v5  }
0xb6: {  	[tilespmem:s24+$0x500] =	vst v6;
	v4 =	vor.u32 v0, v4  }
0xb7: {  	s23 =	simm.s32 $0x0;
	[tilespmem:s25+$0x500] =	vst v4  }
0xb8: {  	[spmem:s2] =	stream.indirect.scatter.add.f32 [tilespmem:s16], [sflag:$0x2], $0x1, s18, s9, $0xb8;
	[tilespmem:$0xE80] =	vst v63  }
0xb9: {  	v4 =	vld [tilespmem:s23+$0x380]  }
0xba: {  	v5 =	vld [tilespmem:s23+$0x180];
	_ =	sdelay $0x1  }
0xbb: {  	s24 =	simm.s32 $0x10  }
0xbc: {  	v7 =	vld [tilespmem:s24+$0x380]  }
0xbd: {  	v4 =	vmul.f32 $3.200000000e+01, v4  }
0xbe: {  	v5 =	vmul.f32 $3.200000000e+01, v5  }
0xbf: {  	v6 =	vld [tilespmem:s24+$0x180];
	v4 =	vmax.f32 v4, $-3.300000000e+01  }
0xc0: {  	v5 =	vmax.f32 v5, $-3.300000000e+01;
	v4 =	vmin.f32 v4, $3.300000000e+01  }
0xc1: {  	v7 =	vmul.f32 $3.200000000e+01, v7;
	v5 =	vmin.f32 v5, $3.300000000e+01;
	v8 =	vtrunc.f32 v4  }
0xc2: {  	v9 =	vtrunc.f32 v5;
	v10 =	vcvt.f32.s32 v8;
	vm12 =	vgt.f32 v4, v8  }
0xc3: {  	v8 =	vcvt.f32.s32 v9;
	vm13 =	vgt.f32 v5, v9;
	v4 =	vsel vm12, $0x1, v3  }
0xc4: {  	v5 =	vmul.f32 $3.200000000e+01, v6;
	v6 =	vsel vm13, $0x1, v3;
	v4 =	vadd.s32 v4, v10  }
0xc5: {  	v6 =	vadd.s32 v6, v8;
	v4 =	vadd.s32 $0x1F, v4  }
0xc6: {  	v7 =	vmax.f32 v7, $-3.300000000e+01;
	v8 =	vadd.s32 $0x1F, v6;
	vm14 =	vgt.s32 v4, $0x0  }
0xc7: {  	s25 =	simm.s32 $0x20;
	v7 =	vmin.f32 v7, $3.300000000e+01;
	vm15 =	vgt.s32 v8, $0x0;
	v9 =	vnsel vm14, $0x0, v4  }
0xc8: {  	v5 =	vmax.f32 v5, $-3.300000000e+01;
	v4 =	vld [tilespmem:s25+$0x180];
	v10 =	vnsel vm15, $0x0, v8;
	v9 =	vmin.u32 v9, $0x3F  }
0xc9: {  	s26 =	simm.s32 $0xC0;
	v6 =	vmin.f32 v5, $3.300000000e+01;
	v5 =	vld [tilespmem:s25+$0x380];
	v8 =	vshll.u32 v9, $0x6;
	v9 =	vmin.u32 v10, $0x3F  }
.LBB2_10:
0xca: {  	p0 =	sne.s32 s26, $0x1C0;
	v10 =	vtrunc.f32 v7;
	v11 =	vtrunc.f32 v6;
	v8 =	vor.u32 v9, v8  }
0xcb: {  	v9 =	vcvt.f32.s32 v10;
	vm0 =	vgt.f32 v7, v10;
	v7 =	vor.u32 v0, v8  }
0xcc: {  	v10 =	vcvt.f32.s32 v11;
	v8 =	vsel vm0, $0x1, v3;
	vm0 =	vgt.f32 v6, v11;
	[tilespmem:s23+$0x580] =	vst v7;
	s23 =	smov.u32 s24;
	s24 =	smov.u32 s25  }
0xcd: {  	v4 =	vmul.f32 $3.200000000e+01, v4;
	v6 =	vadd.s32 v8, v9;
	v7 =	vsel vm0, $0x1, v3  }
.Ltmp4:
0xce: {  	v5 =	vmul.f32 $3.200000000e+01, v5;
	v6 =	vadd.s32 $0x1F, v6;
	v7 =	vadd.s32 v7, v10;
	(pc) =	sbr.rel @p0 .LBB2_10-.Ltmp4, $4  }
0xcf: {  	v8 =	vmax.f32 v4, $-3.300000000e+01;
	vm0 =	vgt.s32 v6, $0x0;
	v7 =	vadd.s32 $0x1F, v7  }
0xd0: {  	s25 =	sshra.s32 s26, $0x2;
	v9 =	vmax.f32 v5, $-3.300000000e+01;
	v5 =	vnsel vm0, $0x0, v6;
	vm0 =	vgt.s32 v7, $0x0  }
0xd1: {  	v6 =	vmin.f32 v8, $3.300000000e+01;
	v4 =	vld [tilespmem:s25+$0x180];
	v8 =	vmin.u32 v5, $0x3F;
	v10 =	vnsel vm0, $0x0, v7  }
0xd2: {  	s26 =	sadd.s32 $0x40, s26;
	v7 =	vmin.f32 v9, $3.300000000e+01;
	v5 =	vld [tilespmem:s25+$0x380];
	v8 =	vshll.u32 v8, $0x6;
	v9 =	vmin.u32 v10, $0x3F  }
0xd3: {  	_ = 	snop  }
0xd4: {  	v10 =	vtrunc.f32 v7;
	v11 =	vtrunc.f32 v6  }
0xd5: {  	v8 =	vor.u32 v9, v8;
	v55 =	vcvt.f32.s32 v10;
	vm0 =	vgt.f32 v7, v10  }
0xd6: {  	v56 =	vcvt.f32.s32 v11;
	vm9 =	vgt.f32 v6, v11;
	v58 =	vor.u32 v0, v8  }
0xd7: {  	v7 =	vsel vm0, $0x1, v3;
	v59 =	vsel vm9, $0x1, v3;
	v5 =	vmul.f32 $3.200000000e+01, v5  }
0xd8: {  	v4 =	vmul.f32 $3.200000000e+01, v4;
	v57 =	vadd.s32 v7, v55;
	v8 =	vadd.s32 v59, v56  }
0xd9: {  	v6 =	vadd.s32 $0x1F, v57;
	v8 =	vadd.s32 $0x1F, v8;
	v5 =	vmax.f32 v5, $-3.300000000e+01  }
0xda: {  	v4 =	vmax.f32 v4, $-3.300000000e+01;
	vm10 =	vgt.s32 v6, $0x0;
	v5 =	vmin.f32 v5, $3.300000000e+01  }
0xdb: {  	vm13 =	vgt.s32 v8, $0x0;
	v4 =	vmin.f32 v4, $3.300000000e+01;
	v60 =	vtrunc.f32 v5  }
0xdc: {  	v61 =	vtrunc.f32 v4;
	v62 =	vcvt.f32.s32 v60;
	vm11 =	vgt.f32 v5, v60  }
0xdd: {  	v63 =	vcvt.f32.s32 v61;
	vm12 =	vgt.f32 v4, v61;
	v5 =	vsel vm11, $0x1, v3  }
0xde: {  	v6 =	vnsel vm10, $0x0, v6;
	v4 =	vsel vm12, $0x1, v3;
	v5 =	vadd.s32 v5, v62  }
0xdf: {  	v8 =	vnsel vm13, $0x0, v8;
	v4 =	vadd.s32 v4, v63;
	v5 =	vadd.s32 $0x1F, v5  }
0xe0: {  	v6 =	vmin.u32 v6, $0x3F;
	v4 =	vadd.s32 $0x1F, v4;
	vm14 =	vgt.s32 v5, $0x0  }
0xe1: {  	v8 =	vmin.u32 v8, $0x3F;
	vm15 =	vgt.s32 v4, $0x0;
	v5 =	vnsel vm14, $0x0, v5  }
0xe2: {  	v6 =	vshll.u32 v6, $0x6;
	v4 =	vnsel vm15, $0x0, v4;
	v5 =	vmin.u32 v5, $0x3F  }
0xe3: {  	v6 =	vor.u32 v8, v6;
	v4 =	vmin.u32 v4, $0x3F;
	v5 =	vshll.u32 v5, $0x6  }
0xe4: {  	[tilespmem:s23+$0x580] =	vst v58;
	v6 =	vor.u32 v0, v6;
	v4 =	vor.u32 v4, v5  }
0xe5: {  	[tilespmem:s24+$0x580] =	vst v6;
	v4 =	vor.u32 v0, v4  }
0xe6: {  	[tilespmem:s25+$0x580] =	vst v4  }
0xe7: {  	[spmem:s2] =	stream.indirect.scatter.add.f32 [tilespmem:s16], [sflag:$0x2], $0x1, s19, s9, $0xb8;
	[tilespmem:$0xE80] =	vst v63  }
0xe8: {  	_ =	swait.ge [sflag:s20], $0x80  }
0xe9: {  	[sflag:s20] =	ssyncset.done $0x0  }
0xea: {  	[sflag:s20] =	ssyncadd.s32 $0xFFFFFF80  }
0xeb: {  	_ =	swait.ge [sflag:s20], $0x80  }
0xec: {  	[sflag:s20] =	ssyncset.done $0x0  }
0xed: {  	[sflag:s20] =	ssyncadd.s32 $0xFFFFFF80  }
0xee: {  	_ =	swait.ge [sflag:s20], $0x80  }
0xef: {  	[sflag:s20] =	ssyncset.done $0x0  }
0xf0: {  	[sflag:s20] =	ssyncadd.s32 $0xFFFFFF80  }
0xf1: {  	_ =	swait.ge [sflag:s20], $0x80  }
0xf2: {  	s30 =	sshll.u32 s0, $0x6;
	s22 =	sadd.s32 $0x1, s22;
	[sflag:s20] =	ssyncset.done $0x0  }
0xf3: {  	s31 =	sshrl.u32 s6, $0x3;
	p0 =	sne.s32 s22, s8;
	[sflag:s20] =	ssyncadd.s32 $0xFFFFFF80  }
.Ltmp5:
0xf4: {  	s23 =	sor.u32 $0x1C03, s30;
	[bflag:$0x0] =	sbarrier.arrive $0xFFFF;
	(pc) =	sbr.rel @p0 .LBB2_1-.Ltmp5, $4  }
0xf5: {  	[hbm:s7@s9], [sflag:s23] =	dma.strided [spmem:s31@s21], $0x80, s14, $0x10   }
0xf6: {  	_ =	swait.ge [sflag:s13], $0x80  }
0xf7: {  	[sflag:s13] =	ssyncset.done $0x0  }
0xf8: {  	[sflag:s13] =	ssyncadd.s32 $0xFFFFFF80  }
0xf9: {  	_ =	sfence.sel $0x180000  }
0xfa: {  	[bflag:$0x0] =	sbarrier.arrive $0xFFFF  }
0xfb: {  	p0 =	sne.s32 s0, $0x0;
	_ =	strace $0x90000047  }
0xfc: {  	s0 =	sadd.s32 @!p0 $0x100000, s1;
	[bflag:$0x2] =	sbarrier.arrive $0xFFFF  }
0xfd: {  	[sflag:s0] =	ssyncadd.tile.s32 @!p0 $0x1;
	_ =	shalt  }
.Lfunc_end2:
_tile_overlayer_lowered:
.L_overlay_start_2:
0xfe: {  	(tag) =	ssettag $0x2  }
0xff: {  	s0 =	rddreg [dreg:$0x0];
	s2 =	stileid.u32  }
0x100: {  	s1 =	rddreg [dreg:$0x1];
	p0 =	sne.s32 s2, $0x0  }
0x101: {  	s3 =	rddreg [dreg:$0x2];
	[bflag:$0x3] =	sbarrier.arrive $0xFFFF;
	s2 =	simm.s32 @!p0 $0x1C03  }
0x102: {  	[timem:s3], [sflag:s2] =	dma.local @!p0 [hbm:s0], s1  }
0x103: {  	s0 =	simm.s32 @!p0 $0x3  }
0x104: {  	_ =	swait.ge @!p0 [sflag:s0], s1  }
0x105: {  	s1 =	ssub.s32 @!p0 $0x0, s1;
	[sflag:s0] =	ssyncset.done @!p0 $0x0  }
0x106: {  	[sflag:s0] =	ssyncadd.s32 @!p0 s1  }
0x107: {  	[bflag:$0x3] =	sbarrier.arrive $0xFFFF  }
0x108: {  	_ =	shalt  }

</sc_bundles>
